<compile_context>
chip_gen: v7x
topology: tpu7x:2x2x1
jax: 0.10.2.dev20260603
libtpu: 0.0.44.dev20260713+nightly
codegen_flags: <defaults>
</compile_context>

<pallas_src>
import jax
import jax.numpy as jnp
from jax.experimental import pallas as pl
from jax.experimental.pallas import tpu as pltpu

_FEAT = 32
_NB = 2
_NR = 5


def _gae_body(u_ref, i_ref, b_ref, ct_ref, out_ref):
    u = u_ref[...]
    it = i_ref[...]
    a0 = jnp.dot(u, b_ref[0], preferred_element_type=jnp.float32)
    a1 = jnp.dot(u, b_ref[1], preferred_element_type=jnp.float32)
    p0t = jax.lax.dot_general(it, a0, (((1,), (1,)), ((), ())),
                              preferred_element_type=jnp.float32)
    p1t = jax.lax.dot_general(it, a1, (((1,), (1,)), ((), ())),
                              preferred_element_type=jnp.float32)
    c0 = ct_ref[0:1, :]
    c1 = ct_ref[1:2, :]
    for uu in range(out_ref.shape[0]):
        out_ref[uu] = p0t[:, uu:uu + 1] * c0 + p1t[:, uu:uu + 1] * c1


def kernel(u_features, i_features, basis_matrix, coefs):
    num_u, feat = u_features.shape
    num_i = i_features.shape[0]
    basis3 = basis_matrix.reshape(_NB, feat, feat)
    coefs_t = coefs.T
    tu, ti = 32, 512
    grid = (num_u // tu, num_i // ti)
    out = pl.pallas_call(
        _gae_body,
        grid=grid,
        in_specs=[
            pl.BlockSpec((tu, feat), lambda gu, gi: (gu, 0)),
            pl.BlockSpec((ti, feat), lambda gu, gi: (gi, 0)),
            pl.BlockSpec((_NB, feat, feat), lambda gu, gi: (0, 0, 0)),
            pl.BlockSpec((_NB, _NR), lambda gu, gi: (0, 0)),
        ],
        out_specs=pl.BlockSpec((tu, ti, _NR), lambda gu, gi: (gu, gi, 0)),
        out_shape=jax.ShapeDtypeStruct((num_u, num_i, _NR), jnp.float32),
    )(u_features, i_features, basis3, coefs_t)
    return out.reshape(num_u * num_i, _NR)

# --- scband reference (transcript-rebuilt; emitter-appended) ---
"""Pipeline reference for scband-gae-20693152432873 (READ-ONLY COPY).

The authoritative reference and input builder live on the scoring server;
editing this copy changes nothing except your own understanding.
"""

import jax, jax.numpy as jnp
import numpy as np

NUM_BASIS = 2
NUM_RELATIONS = 5
FEAT = 32
NUM_USERS = 2048
NUM_ITEMS = 2048


def setup_inputs(seed: int = 0) -> dict:
    key = jax.random.key(seed)
    k1, k2, k3, k4 = jax.random.split(key, 4)
    u_features = jax.random.normal(k1, (NUM_USERS, FEAT), dtype=jnp.float32)
    i_features = jax.random.normal(k2, (NUM_ITEMS, FEAT), dtype=jnp.float32)
    # basis_matrix: [num_basis, feat*feat], orthogonal rows (mimics nn.init.orthogonal_)
    bm = jax.random.normal(k3, (NUM_BASIS, FEAT * FEAT), dtype=jnp.float32)
    q, _ = jnp.linalg.qr(bm.T)  # (feat*feat, num_basis), orthonormal columns
    basis_matrix = q.T.astype(jnp.float32)
    # coefs: [num_relations, num_basis]
    coefs = jax.random.normal(k4, (NUM_RELATIONS, NUM_BASIS), dtype=jnp.float32) * (1.0 / np.sqrt(NUM_BASIS))
    return {
        "u_features": u_features,
        "i_features": i_features,
        "basis_matrix": basis_matrix,
        "coefs": coefs,
    }


def reference(u_features, i_features, basis_matrix, coefs):
    # BiDecoder.forward with accum != 'stack' and apply_drop=False
    num_users = u_features.shape[0]
    num_items = i_features.shape[0]
    outs = []
    for relation in range(NUM_RELATIONS):
        # q_matrix = sum_b coefs[r][b] * basis_matrix[b]
        q_matrix = jnp.sum(coefs[relation][:, None] * basis_matrix, axis=0)
        q_matrix = q_matrix.reshape(FEAT, FEAT)
        # chain_matmul(u, Q, i^T)
        outs.append((u_features @ q_matrix) @ i_features.T)
    out = jnp.stack(outs, axis=2)  # [num_users, num_items, num_relations]
    out = out.reshape(num_users * num_items, -1)
    return out

if __name__ == "__main__":
    import jax
    _d = setup_inputs()
    print(jax.jit(kernel)(*tuple(_d.values())))

</pallas_src>

<mosaic_0001>
module attributes {stable_mosaic.version = 14 : i64} {
  func.func @_gae_body(%arg0: i32, %arg1: i32, %arg2: memref<32x32xf32, #tpu.memory_space<vmem>>, %arg3: memref<512x32xf32, #tpu.memory_space<vmem>>, %arg4: memref<2x32x32xf32, #tpu.memory_space<vmem>>, %arg5: memref<2x5xf32, #tpu.memory_space<vmem>>, %arg6: memref<32x512x5xf32, #tpu.memory_space<vmem>>) attributes {dimension_semantics = [#tpu.dimension_semantics<arbitrary>, #tpu.dimension_semantics<arbitrary>], iteration_bounds = array<i64: 64, 4>, scalar_prefetch = 0 : i64, scratch_operands = 0 : i64, tpu.core_type = #tpu.core_type<tc>, window_params = [{transform_indices = @transform_0, window_bounds = array<i64: 32, 32>}, {transform_indices = @transform_1, window_bounds = array<i64: 512, 32>}, {pipeline_mode = #tpu.pipeline_mode<synchronous>, transform_indices = @transform_2, window_bounds = array<i64: 2, 32, 32>}, {pipeline_mode = #tpu.pipeline_mode<synchronous>, transform_indices = @transform_3, window_bounds = array<i64: 2, 5>}, {transform_indices = @transform_4, window_bounds = array<i64: 32, 512, 5>}]} {
    %get3A = arith.constant 0 : index
    %get3A_0 = arith.constant 0 : index
    %get3A_1 = vector.load %arg2[%get3A, %get3A_0] : memref<32x32xf32, #tpu.memory_space<vmem>>, vector<32x32xf32>
    %get3A_2 = arith.constant 0 : index
    %get3A_3 = arith.constant 0 : index
    %get3A_4 = vector.load %arg3[%get3A_2, %get3A_3] : memref<512x32xf32, #tpu.memory_space<vmem>>, vector<512x32xf32>
    %get3A_5 = arith.constant 0 : index
    %get3A_6 = arith.constant 0 : index
    %get3A_7 = arith.constant 0 : index
    %get3A_8 = vector.load %arg4[%get3A_5, %get3A_6, %get3A_7] : memref<2x32x32xf32, #tpu.memory_space<vmem>>, vector<1x32x32xf32>
    %get3A_9 = vector.shape_cast %get3A_8 : vector<1x32x32xf32> to vector<32x32xf32>
    %dot_general3A = arith.constant dense<0.000000e+00> : vector<32x32xf32>
    %dot_general3A_10 = tpu.matmul %get3A_1, %get3A_9, %dot_general3A {dimension_numbers = #tpu.dot_dimension_numbers<[1], [0], [0], [1], [0, 0, 1, 1], [], []>, transpose_lhs_hint = false} : vector<32x32xf32>, vector<32x32xf32>, vector<32x32xf32> -> vector<32x32xf32>
    %get3A_11 = arith.constant 1 : index
    %get3A_12 = arith.constant 0 : index
    %get3A_13 = arith.constant 0 : index
    %get3A_14 = vector.load %arg4[%get3A_11, %get3A_12, %get3A_13] : memref<2x32x32xf32, #tpu.memory_space<vmem>>, vector<1x32x32xf32>
    %get3A_15 = vector.shape_cast %get3A_14 : vector<1x32x32xf32> to vector<32x32xf32>
    %dot_general3A_16 = arith.constant dense<0.000000e+00> : vector<32x32xf32>
    %dot_general3A_17 = tpu.matmul %get3A_1, %get3A_15, %dot_general3A_16 {dimension_numbers = #tpu.dot_dimension_numbers<[1], [0], [0], [1], [0, 0, 1, 1], [], []>, transpose_lhs_hint = false} : vector<32x32xf32>, vector<32x32xf32>, vector<32x32xf32> -> vector<32x32xf32>
    %dot_general3A_18 = arith.constant dense<0.000000e+00> : vector<512x32xf32>
    %dot_general3A_19 = tpu.matmul %get3A_4, %dot_general3A_10, %dot_general3A_18 {dimension_numbers = #tpu.dot_dimension_numbers<[1], [1], [0], [0], [0, 0, 1, 0], [], []>, transpose_lhs_hint = false} : vector<512x32xf32>, vector<32x32xf32>, vector<512x32xf32> -> vector<512x32xf32>
    %dot_general3A_20 = arith.constant dense<0.000000e+00> : vector<512x32xf32>
    %dot_general3A_21 = tpu.matmul %get3A_4, %dot_general3A_17, %dot_general3A_20 {dimension_numbers = #tpu.dot_dimension_numbers<[1], [1], [0], [0], [0, 0, 1, 0], [], []>, transpose_lhs_hint = false} : vector<512x32xf32>, vector<32x32xf32>, vector<512x32xf32> -> vector<512x32xf32>
    %get3A_22 = arith.constant 0 : index
    %get3A_23 = arith.constant 0 : index
    %get3A_24 = vector.load %arg5[%get3A_22, %get3A_23] : memref<2x5xf32, #tpu.memory_space<vmem>>, vector<1x5xf32>
    %get3A_25 = arith.constant 1 : index
    %get3A_26 = arith.constant 0 : index
    %get3A_27 = vector.load %arg5[%get3A_25, %get3A_26] : memref<2x5xf32, #tpu.memory_space<vmem>>, vector<1x5xf32>
    %slice3A = vector.extract_strided_slice %dot_general3A_19 {offsets = [0, 0], sizes = [512, 1], strides = [1, 1]} : vector<512x32xf32> to vector<512x1xf32>
    %mul3A = vector.broadcast %slice3A : vector<512x1xf32> to vector<512x5xf32>
    %mul3A_28 = vector.broadcast %get3A_24 : vector<1x5xf32> to vector<512x5xf32>
    %mul3A_29 = arith.mulf %mul3A, %mul3A_28 : vector<512x5xf32>
    %slice3A_30 = vector.extract_strided_slice %dot_general3A_21 {offsets = [0, 0], sizes = [512, 1], strides = [1, 1]} : vector<512x32xf32> to vector<512x1xf32>
    %mul3A_31 = vector.broadcast %slice3A_30 : vector<512x1xf32> to vector<512x5xf32>
    %mul3A_32 = vector.broadcast %get3A_27 : vector<1x5xf32> to vector<512x5xf32>
    %mul3A_33 = arith.mulf %mul3A_31, %mul3A_32 : vector<512x5xf32>
    %add3A = arith.addf %mul3A_29, %mul3A_33 : vector<512x5xf32>
    %swap3A = arith.constant 0 : index
    %swap3A_34 = arith.constant 0 : index
    %swap3A_35 = arith.constant 0 : index
    %swap3A_36 = vector.load %arg6[%swap3A, %swap3A_34, %swap3A_35] : memref<32x512x5xf32, #tpu.memory_space<vmem>>, vector<1x512x5xf32>
    %swap3A_37 = vector.shape_cast %swap3A_36 : vector<1x512x5xf32> to vector<512x5xf32>
    %swap3A_38 = vector.shape_cast %add3A : vector<512x5xf32> to vector<1x512x5xf32>
    tpu.vector_store %arg6[%swap3A, %swap3A_34, %swap3A_35], %swap3A_38 {strides = array<i32>} : memref<32x512x5xf32, #tpu.memory_space<vmem>>, vector<1x512x5xf32>,
    %slice3A_39 = vector.extract_strided_slice %dot_general3A_19 {offsets = [0, 1], sizes = [512, 1], strides = [1, 1]} : vector<512x32xf32> to vector<512x1xf32>
    %mul3A_40 = vector.broadcast %slice3A_39 : vector<512x1xf32> to vector<512x5xf32>
    %mul3A_41 = vector.broadcast %get3A_24 : vector<1x5xf32> to vector<512x5xf32>
    %mul3A_42 = arith.mulf %mul3A_40, %mul3A_41 : vector<512x5xf32>
    %slice3A_43 = vector.extract_strided_slice %dot_general3A_21 {offsets = [0, 1], sizes = [512, 1], strides = [1, 1]} : vector<512x32xf32> to vector<512x1xf32>
    %mul3A_44 = vector.broadcast %slice3A_43 : vector<512x1xf32> to vector<512x5xf32>
    %mul3A_45 = vector.broadcast %get3A_27 : vector<1x5xf32> to vector<512x5xf32>
    %mul3A_46 = arith.mulf %mul3A_44, %mul3A_45 : vector<512x5xf32>
    %add3A_47 = arith.addf %mul3A_42, %mul3A_46 : vector<512x5xf32>
    %swap3A_48 = arith.constant 1 : index
    %swap3A_49 = arith.constant 0 : index
    %swap3A_50 = arith.constant 0 : index
    %swap3A_51 = vector.load %arg6[%swap3A_48, %swap3A_49, %swap3A_50] : memref<32x512x5xf32, #tpu.memory_space<vmem>>, vector<1x512x5xf32>
    %swap3A_52 = vector.shape_cast %swap3A_51 : vector<1x512x5xf32> to vector<512x5xf32>
    %swap3A_53 = vector.shape_cast %add3A_47 : vector<512x5xf32> to vector<1x512x5xf32>
    tpu.vector_store %arg6[%swap3A_48, %swap3A_49, %swap3A_50], %swap3A_53 {strides = array<i32>} : memref<32x512x5xf32, #tpu.memory_space<vmem>>, vector<1x512x5xf32>,
    %slice3A_54 = vector.extract_strided_slice %dot_general3A_19 {offsets = [0, 2], sizes = [512, 1], strides = [1, 1]} : vector<512x32xf32> to vector<512x1xf32>
    %mul3A_55 = vector.broadcast %slice3A_54 : vector<512x1xf32> to vector<512x5xf32>
    %mul3A_56 = vector.broadcast %get3A_24 : vector<1x5xf32> to vector<512x5xf32>
    %mul3A_57 = arith.mulf %mul3A_55, %mul3A_56 : vector<512x5xf32>
    %slice3A_58 = vector.extract_strided_slice %dot_general3A_21 {offsets = [0, 2], sizes = [512, 1], strides = [1, 1]} : vector<512x32xf32> to vector<512x1xf32>
    %mul3A_59 = vector.broadcast %slice3A_58 : vector<512x1xf32> to vector<512x5xf32>
    %mul3A_60 = vector.broadcast %get3A_27 : vector<1x5xf32> to vector<512x5xf32>
    %mul3A_61 = arith.mulf %mul3A_59, %mul3A_60 : vector<512x5xf32>
    %add3A_62 = arith.addf %mul3A_57, %mul3A_61 : vector<512x5xf32>
    %swap3A_63 = arith.constant 2 : index
    %swap3A_64 = arith.constant 0 : index
    %swap3A_65 = arith.constant 0 : index
    %swap3A_66 = vector.load %arg6[%swap3A_63, %swap3A_64, %swap3A_65] : memref<32x512x5xf32, #tpu.memory_space<vmem>>, vector<1x512x5xf32>
    %swap3A_67 = vector.shape_cast %swap3A_66 : vector<1x512x5xf32> to vector<512x5xf32>
    %swap3A_68 = vector.shape_cast %add3A_62 : vector<512x5xf32> to vector<1x512x5xf32>
    tpu.vector_store %arg6[%swap3A_63, %swap3A_64, %swap3A_65], %swap3A_68 {strides = array<i32>} : memref<32x512x5xf32, #tpu.memory_space<vmem>>, vector<1x512x5xf32>,
    %slice3A_69 = vector.extract_strided_slice %dot_general3A_19 {offsets = [0, 3], sizes = [512, 1], strides = [1, 1]} : vector<512x32xf32> to vector<512x1xf32>
    %mul3A_70 = vector.broadcast %slice3A_69 : vector<512x1xf32> to vector<512x5xf32>
    %mul3A_71 = vector.broadcast %get3A_24 : vector<1x5xf32> to vector<512x5xf32>
    %mul3A_72 = arith.mulf %mul3A_70, %mul3A_71 : vector<512x5xf32>
    %slice3A_73 = vector.extract_strided_slice %dot_general3A_21 {offsets = [0, 3], sizes = [512, 1], strides = [1, 1]} : vector<512x32xf32> to vector<512x1xf32>
    %mul3A_74 = vector.broadcast %slice3A_73 : vector<512x1xf32> to vector<512x5xf32>
    %mul3A_75 = vector.broadcast %get3A_27 : vector<1x5xf32> to vector<512x5xf32>
    %mul3A_76 = arith.mulf %mul3A_74, %mul3A_75 : vector<512x5xf32>
    %add3A_77 = arith.addf %mul3A_72, %mul3A_76 : vector<512x5xf32>
    %swap3A_78 = arith.constant 3 : index
    %swap3A_79 = arith.constant 0 : index
    %swap3A_80 = arith.constant 0 : index
    %swap3A_81 = vector.load %arg6[%swap3A_78, %swap3A_79, %swap3A_80] : memref<32x512x5xf32, #tpu.memory_space<vmem>>, vector<1x512x5xf32>
    %swap3A_82 = vector.shape_cast %swap3A_81 : vector<1x512x5xf32> to vector<512x5xf32>
    %swap3A_83 = vector.shape_cast %add3A_77 : vector<512x5xf32> to vector<1x512x5xf32>
    tpu.vector_store %arg6[%swap3A_78, %swap3A_79, %swap3A_80], %swap3A_83 {strides = array<i32>} : memref<32x512x5xf32, #tpu.memory_space<vmem>>, vector<1x512x5xf32>,
    %slice3A_84 = vector.extract_strided_slice %dot_general3A_19 {offsets = [0, 4], sizes = [512, 1], strides = [1, 1]} : vector<512x32xf32> to vector<512x1xf32>
    %mul3A_85 = vector.broadcast %slice3A_84 : vector<512x1xf32> to vector<512x5xf32>
    %mul3A_86 = vector.broadcast %get3A_24 : vector<1x5xf32> to vector<512x5xf32>
    %mul3A_87 = arith.mulf %mul3A_85, %mul3A_86 : vector<512x5xf32>
    %slice3A_88 = vector.extract_strided_slice %dot_general3A_21 {offsets = [0, 4], sizes = [512, 1], strides = [1, 1]} : vector<512x32xf32> to vector<512x1xf32>
    %mul3A_89 = vector.broadcast %slice3A_88 : vector<512x1xf32> to vector<512x5xf32>
    %mul3A_90 = vector.broadcast %get3A_27 : vector<1x5xf32> to vector<512x5xf32>
    %mul3A_91 = arith.mulf %mul3A_89, %mul3A_90 : vector<512x5xf32>
    %add3A_92 = arith.addf %mul3A_87, %mul3A_91 : vector<512x5xf32>
    %swap3A_93 = arith.constant 4 : index
    %swap3A_94 = arith.constant 0 : index
    %swap3A_95 = arith.constant 0 : index
    %swap3A_96 = vector.load %arg6[%swap3A_93, %swap3A_94, %swap3A_95] : memref<32x512x5xf32, #tpu.memory_space<vmem>>, vector<1x512x5xf32>
    %swap3A_97 = vector.shape_cast %swap3A_96 : vector<1x512x5xf32> to vector<512x5xf32>
    %swap3A_98 = vector.shape_cast %add3A_92 : vector<512x5xf32> to vector<1x512x5xf32>
    tpu.vector_store %arg6[%swap3A_93, %swap3A_94, %swap3A_95], %swap3A_98 {strides = array<i32>} : memref<32x512x5xf32, #tpu.memory_space<vmem>>, vector<1x512x5xf32>,
    %slice3A_99 = vector.extract_strided_slice %dot_general3A_19 {offsets = [0, 5], sizes = [512, 1], strides = [1, 1]} : vector<512x32xf32> to vector<512x1xf32>
    %mul3A_100 = vector.broadcast %slice3A_99 : vector<512x1xf32> to vector<512x5xf32>
    %mul3A_101 = vector.broadcast %get3A_24 : vector<1x5xf32> to vector<512x5xf32>
    %mul3A_102 = arith.mulf %mul3A_100, %mul3A_101 : vector<512x5xf32>
    %slice3A_103 = vector.extract_strided_slice %dot_general3A_21 {offsets = [0, 5], sizes = [512, 1], strides = [1, 1]} : vector<512x32xf32> to vector<512x1xf32>
    %mul3A_104 = vector.broadcast %slice3A_103 : vector<512x1xf32> to vector<512x5xf32>
    %mul3A_105 = vector.broadcast %get3A_27 : vector<1x5xf32> to vector<512x5xf32>
    %mul3A_106 = arith.mulf %mul3A_104, %mul3A_105 : vector<512x5xf32>
    %add3A_107 = arith.addf %mul3A_102, %mul3A_106 : vector<512x5xf32>
    %swap3A_108 = arith.constant 5 : index
    %swap3A_109 = arith.constant 0 : index
    %swap3A_110 = arith.constant 0 : index
    %swap3A_111 = vector.load %arg6[%swap3A_108, %swap3A_109, %swap3A_110] : memref<32x512x5xf32, #tpu.memory_space<vmem>>, vector<1x512x5xf32>
    %swap3A_112 = vector.shape_cast %swap3A_111 : vector<1x512x5xf32> to vector<512x5xf32>
    %swap3A_113 = vector.shape_cast %add3A_107 : vector<512x5xf32> to vector<1x512x5xf32>
    tpu.vector_store %arg6[%swap3A_108, %swap3A_109, %swap3A_110], %swap3A_113 {strides = array<i32>} : memref<32x512x5xf32, #tpu.memory_space<vmem>>, vector<1x512x5xf32>,
    %slice3A_114 = vector.extract_strided_slice %dot_general3A_19 {offsets = [0, 6], sizes = [512, 1], strides = [1, 1]} : vector<512x32xf32> to vector<512x1xf32>
    %mul3A_115 = vector.broadcast %slice3A_114 : vector<512x1xf32> to vector<512x5xf32>
    %mul3A_116 = vector.broadcast %get3A_24 : vector<1x5xf32> to vector<512x5xf32>
    %mul3A_117 = arith.mulf %mul3A_115, %mul3A_116 : vector<512x5xf32>
    %slice3A_118 = vector.extract_strided_slice %dot_general3A_21 {offsets = [0, 6], sizes = [512, 1], strides = [1, 1]} : vector<512x32xf32> to vector<512x1xf32>
    %mul3A_119 = vector.broadcast %slice3A_118 : vector<512x1xf32> to vector<512x5xf32>
    %mul3A_120 = vector.broadcast %get3A_27 : vector<1x5xf32> to vector<512x5xf32>
    %mul3A_121 = arith.mulf %mul3A_119, %mul3A_120 : vector<512x5xf32>
    %add3A_122 = arith.addf %mul3A_117, %mul3A_121 : vector<512x5xf32>
    %swap3A_123 = arith.constant 6 : index
    %swap3A_124 = arith.constant 0 : index
    %swap3A_125 = arith.constant 0 : index
    %swap3A_126 = vector.load %arg6[%swap3A_123, %swap3A_124, %swap3A_125] : memref<32x512x5xf32, #tpu.memory_space<vmem>>, vector<1x512x5xf32>
    %swap3A_127 = vector.shape_cast %swap3A_126 : vector<1x512x5xf32> to vector<512x5xf32>
    %swap3A_128 = vector.shape_cast %add3A_122 : vector<512x5xf32> to vector<1x512x5xf32>
    tpu.vector_store %arg6[%swap3A_123, %swap3A_124, %swap3A_125], %swap3A_128 {strides = array<i32>} : memref<32x512x5xf32, #tpu.memory_space<vmem>>, vector<1x512x5xf32>,
    %slice3A_129 = vector.extract_strided_slice %dot_general3A_19 {offsets = [0, 7], sizes = [512, 1], strides = [1, 1]} : vector<512x32xf32> to vector<512x1xf32>
    %mul3A_130 = vector.broadcast %slice3A_129 : vector<512x1xf32> to vector<512x5xf32>
    %mul3A_131 = vector.broadcast %get3A_24 : vector<1x5xf32> to vector<512x5xf32>
    %mul3A_132 = arith.mulf %mul3A_130, %mul3A_131 : vector<512x5xf32>
    %slice3A_133 = vector.extract_strided_slice %dot_general3A_21 {offsets = [0, 7], sizes = [512, 1], strides = [1, 1]} : vector<512x32xf32> to vector<512x1xf32>
    %mul3A_134 = vector.broadcast %slice3A_133 : vector<512x1xf32> to vector<512x5xf32>
    %mul3A_135 = vector.broadcast %get3A_27 : vector<1x5xf32> to vector<512x5xf32>
    %mul3A_136 = arith.mulf %mul3A_134, %mul3A_135 : vector<512x5xf32>
    %add3A_137 = arith.addf %mul3A_132, %mul3A_136 : vector<512x5xf32>
    %swap3A_138 = arith.constant 7 : index
    %swap3A_139 = arith.constant 0 : index
    %swap3A_140 = arith.constant 0 : index
    %swap3A_141 = vector.load %arg6[%swap3A_138, %swap3A_139, %swap3A_140] : memref<32x512x5xf32, #tpu.memory_space<vmem>>, vector<1x512x5xf32>
    %swap3A_142 = vector.shape_cast %swap3A_141 : vector<1x512x5xf32> to vector<512x5xf32>
    %swap3A_143 = vector.shape_cast %add3A_137 : vector<512x5xf32> to vector<1x512x5xf32>
    tpu.vector_store %arg6[%swap3A_138, %swap3A_139, %swap3A_140], %swap3A_143 {strides = array<i32>} : memref<32x512x5xf32, #tpu.memory_space<vmem>>, vector<1x512x5xf32>,
    %slice3A_144 = vector.extract_strided_slice %dot_general3A_19 {offsets = [0, 8], sizes = [512, 1], strides = [1, 1]} : vector<512x32xf32> to vector<512x1xf32>
    %mul3A_145 = vector.broadcast %slice3A_144 : vector<512x1xf32> to vector<512x5xf32>
    %mul3A_146 = vector.broadcast %get3A_24 : vector<1x5xf32> to vector<512x5xf32>
    %mul3A_147 = arith.mulf %mul3A_145, %mul3A_146 : vector<512x5xf32>
    %slice3A_148 = vector.extract_strided_slice %dot_general3A_21 {offsets = [0, 8], sizes = [512, 1], strides = [1, 1]} : vector<512x32xf32> to vector<512x1xf32>
    %mul3A_149 = vector.broadcast %slice3A_148 : vector<512x1xf32> to vector<512x5xf32>
    %mul3A_150 = vector.broadcast %get3A_27 : vector<1x5xf32> to vector<512x5xf32>
    %mul3A_151 = arith.mulf %mul3A_149, %mul3A_150 : vector<512x5xf32>
    %add3A_152 = arith.addf %mul3A_147, %mul3A_151 : vector<512x5xf32>
    %swap3A_153 = arith.constant 8 : index
    %swap3A_154 = arith.constant 0 : index
    %swap3A_155 = arith.constant 0 : index
    %swap3A_156 = vector.load %arg6[%swap3A_153, %swap3A_154, %swap3A_155] : memref<32x512x5xf32, #tpu.memory_space<vmem>>, vector<1x512x5xf32>
    %swap3A_157 = vector.shape_cast %swap3A_156 : vector<1x512x5xf32> to vector<512x5xf32>
    %swap3A_158 = vector.shape_cast %add3A_152 : vector<512x5xf32> to vector<1x512x5xf32>
    tpu.vector_store %arg6[%swap3A_153, %swap3A_154, %swap3A_155], %swap3A_158 {strides = array<i32>} : memref<32x512x5xf32, #tpu.memory_space<vmem>>, vector<1x512x5xf32>,
    %slice3A_159 = vector.extract_strided_slice %dot_general3A_19 {offsets = [0, 9], sizes = [512, 1], strides = [1, 1]} : vector<512x32xf32> to vector<512x1xf32>
    %mul3A_160 = vector.broadcast %slice3A_159 : vector<512x1xf32> to vector<512x5xf32>
    %mul3A_161 = vector.broadcast %get3A_24 : vector<1x5xf32> to vector<512x5xf32>
    %mul3A_162 = arith.mulf %mul3A_160, %mul3A_161 : vector<512x5xf32>
    %slice3A_163 = vector.extract_strided_slice %dot_general3A_21 {offsets = [0, 9], sizes = [512, 1], strides = [1, 1]} : vector<512x32xf32> to vector<512x1xf32>
    %mul3A_164 = vector.broadcast %slice3A_163 : vector<512x1xf32> to vector<512x5xf32>
    %mul3A_165 = vector.broadcast %get3A_27 : vector<1x5xf32> to vector<512x5xf32>
    %mul3A_166 = arith.mulf %mul3A_164, %mul3A_165 : vector<512x5xf32>
    %add3A_167 = arith.addf %mul3A_162, %mul3A_166 : vector<512x5xf32>
    %swap3A_168 = arith.constant 9 : index
    %swap3A_169 = arith.constant 0 : index
    %swap3A_170 = arith.constant 0 : index
    %swap3A_171 = vector.load %arg6[%swap3A_168, %swap3A_169, %swap3A_170] : memref<32x512x5xf32, #tpu.memory_space<vmem>>, vector<1x512x5xf32>
    %swap3A_172 = vector.shape_cast %swap3A_171 : vector<1x512x5xf32> to vector<512x5xf32>
    %swap3A_173 = vector.shape_cast %add3A_167 : vector<512x5xf32> to vector<1x512x5xf32>
    tpu.vector_store %arg6[%swap3A_168, %swap3A_169, %swap3A_170], %swap3A_173 {strides = array<i32>} : memref<32x512x5xf32, #tpu.memory_space<vmem>>, vector<1x512x5xf32>,
    %slice3A_174 = vector.extract_strided_slice %dot_general3A_19 {offsets = [0, 10], sizes = [512, 1], strides = [1, 1]} : vector<512x32xf32> to vector<512x1xf32>
    %mul3A_175 = vector.broadcast %slice3A_174 : vector<512x1xf32> to vector<512x5xf32>
    %mul3A_176 = vector.broadcast %get3A_24 : vector<1x5xf32> to vector<512x5xf32>
    %mul3A_177 = arith.mulf %mul3A_175, %mul3A_176 : vector<512x5xf32>
    %slice3A_178 = vector.extract_strided_slice %dot_general3A_21 {offsets = [0, 10], sizes = [512, 1], strides = [1, 1]} : vector<512x32xf32> to vector<512x1xf32>
    %mul3A_179 = vector.broadcast %slice3A_178 : vector<512x1xf32> to vector<512x5xf32>
    %mul3A_180 = vector.broadcast %get3A_27 : vector<1x5xf32> to vector<512x5xf32>
    %mul3A_181 = arith.mulf %mul3A_179, %mul3A_180 : vector<512x5xf32>
    %add3A_182 = arith.addf %mul3A_177, %mul3A_181 : vector<512x5xf32>
    %swap3A_183 = arith.constant 10 : index
    %swap3A_184 = arith.constant 0 : index
    %swap3A_185 = arith.constant 0 : index
    %swap3A_186 = vector.load %arg6[%swap3A_183, %swap3A_184, %swap3A_185] : memref<32x512x5xf32, #tpu.memory_space<vmem>>, vector<1x512x5xf32>
    %swap3A_187 = vector.shape_cast %swap3A_186 : vector<1x512x5xf32> to vector<512x5xf32>
    %swap3A_188 = vector.shape_cast %add3A_182 : vector<512x5xf32> to vector<1x512x5xf32>
    tpu.vector_store %arg6[%swap3A_183, %swap3A_184, %swap3A_185], %swap3A_188 {strides = array<i32>} : memref<32x512x5xf32, #tpu.memory_space<vmem>>, vector<1x512x5xf32>,
    %slice3A_189 = vector.extract_strided_slice %dot_general3A_19 {offsets = [0, 11], sizes = [512, 1], strides = [1, 1]} : vector<512x32xf32> to vector<512x1xf32>
    %mul3A_190 = vector.broadcast %slice3A_189 : vector<512x1xf32> to vector<512x5xf32>
    %mul3A_191 = vector.broadcast %get3A_24 : vector<1x5xf32> to vector<512x5xf32>
    %mul3A_192 = arith.mulf %mul3A_190, %mul3A_191 : vector<512x5xf32>
    %slice3A_193 = vector.extract_strided_slice %dot_general3A_21 {offsets = [0, 11], sizes = [512, 1], strides = [1, 1]} : vector<512x32xf32> to vector<512x1xf32>
    %mul3A_194 = vector.broadcast %slice3A_193 : vector<512x1xf32> to vector<512x5xf32>
    %mul3A_195 = vector.broadcast %get3A_27 : vector<1x5xf32> to vector<512x5xf32>
    %mul3A_196 = arith.mulf %mul3A_194, %mul3A_195 : vector<512x5xf32>
    %add3A_197 = arith.addf %mul3A_192, %mul3A_196 : vector<512x5xf32>
    %swap3A_198 = arith.constant 11 : index
    %swap3A_199 = arith.constant 0 : index
    %swap3A_200 = arith.constant 0 : index
    %swap3A_201 = vector.load %arg6[%swap3A_198, %swap3A_199, %swap3A_200] : memref<32x512x5xf32, #tpu.memory_space<vmem>>, vector<1x512x5xf32>
    %swap3A_202 = vector.shape_cast %swap3A_201 : vector<1x512x5xf32> to vector<512x5xf32>
    %swap3A_203 = vector.shape_cast %add3A_197 : vector<512x5xf32> to vector<1x512x5xf32>
    tpu.vector_store %arg6[%swap3A_198, %swap3A_199, %swap3A_200], %swap3A_203 {strides = array<i32>} : memref<32x512x5xf32, #tpu.memory_space<vmem>>, vector<1x512x5xf32>,
    %slice3A_204 = vector.extract_strided_slice %dot_general3A_19 {offsets = [0, 12], sizes = [512, 1], strides = [1, 1]} : vector<512x32xf32> to vector<512x1xf32>
    %mul3A_205 = vector.broadcast %slice3A_204 : vector<512x1xf32> to vector<512x5xf32>
    %mul3A_206 = vector.broadcast %get3A_24 : vector<1x5xf32> to vector<512x5xf32>
    %mul3A_207 = arith.mulf %mul3A_205, %mul3A_206 : vector<512x5xf32>
    %slice3A_208 = vector.extract_strided_slice %dot_general3A_21 {offsets = [0, 12], sizes = [512, 1], strides = [1, 1]} : vector<512x32xf32> to vector<512x1xf32>
    %mul3A_209 = vector.broadcast %slice3A_208 : vector<512x1xf32> to vector<512x5xf32>
    %mul3A_210 = vector.broadcast %get3A_27 : vector<1x5xf32> to vector<512x5xf32>
    %mul3A_211 = arith.mulf %mul3A_209, %mul3A_210 : vector<512x5xf32>
    %add3A_212 = arith.addf %mul3A_207, %mul3A_211 : vector<512x5xf32>
    %swap3A_213 = arith.constant 12 : index
    %swap3A_214 = arith.constant 0 : index
    %swap3A_215 = arith.constant 0 : index
    %swap3A_216 = vector.load %arg6[%swap3A_213, %swap3A_214, %swap3A_215] : memref<32x512x5xf32, #tpu.memory_space<vmem>>, vector<1x512x5xf32>
    %swap3A_217 = vector.shape_cast %swap3A_216 : vector<1x512x5xf32> to vector<512x5xf32>
    %swap3A_218 = vector.shape_cast %add3A_212 : vector<512x5xf32> to vector<1x512x5xf32>
    tpu.vector_store %arg6[%swap3A_213, %swap3A_214, %swap3A_215], %swap3A_218 {strides = array<i32>} : memref<32x512x5xf32, #tpu.memory_space<vmem>>, vector<1x512x5xf32>,
    %slice3A_219 = vector.extract_strided_slice %dot_general3A_19 {offsets = [0, 13], sizes = [512, 1], strides = [1, 1]} : vector<512x32xf32> to vector<512x1xf32>
    %mul3A_220 = vector.broadcast %slice3A_219 : vector<512x1xf32> to vector<512x5xf32>
    %mul3A_221 = vector.broadcast %get3A_24 : vector<1x5xf32> to vector<512x5xf32>
    %mul3A_222 = arith.mulf %mul3A_220, %mul3A_221 : vector<512x5xf32>
    %slice3A_223 = vector.extract_strided_slice %dot_general3A_21 {offsets = [0, 13], sizes = [512, 1], strides = [1, 1]} : vector<512x32xf32> to vector<512x1xf32>
    %mul3A_224 = vector.broadcast %slice3A_223 : vector<512x1xf32> to vector<512x5xf32>
    %mul3A_225 = vector.broadcast %get3A_27 : vector<1x5xf32> to vector<512x5xf32>
    %mul3A_226 = arith.mulf %mul3A_224, %mul3A_225 : vector<512x5xf32>
    %add3A_227 = arith.addf %mul3A_222, %mul3A_226 : vector<512x5xf32>
    %swap3A_228 = arith.constant 13 : index
    %swap3A_229 = arith.constant 0 : index
    %swap3A_230 = arith.constant 0 : index
    %swap3A_231 = vector.load %arg6[%swap3A_228, %swap3A_229, %swap3A_230] : memref<32x512x5xf32, #tpu.memory_space<vmem>>, vector<1x512x5xf32>
    %swap3A_232 = vector.shape_cast %swap3A_231 : vector<1x512x5xf32> to vector<512x5xf32>
    %swap3A_233 = vector.shape_cast %add3A_227 : vector<512x5xf32> to vector<1x512x5xf32>
    tpu.vector_store %arg6[%swap3A_228, %swap3A_229, %swap3A_230], %swap3A_233 {strides = array<i32>} : memref<32x512x5xf32, #tpu.memory_space<vmem>>, vector<1x512x5xf32>,
    %slice3A_234 = vector.extract_strided_slice %dot_general3A_19 {offsets = [0, 14], sizes = [512, 1], strides = [1, 1]} : vector<512x32xf32> to vector<512x1xf32>
    %mul3A_235 = vector.broadcast %slice3A_234 : vector<512x1xf32> to vector<512x5xf32>
    %mul3A_236 = vector.broadcast %get3A_24 : vector<1x5xf32> to vector<512x5xf32>
    %mul3A_237 = arith.mulf %mul3A_235, %mul3A_236 : vector<512x5xf32>
    %slice3A_238 = vector.extract_strided_slice %dot_general3A_21 {offsets = [0, 14], sizes = [512, 1], strides = [1, 1]} : vector<512x32xf32> to vector<512x1xf32>
    %mul3A_239 = vector.broadcast %slice3A_238 : vector<512x1xf32> to vector<512x5xf32>
    %mul3A_240 = vector.broadcast %get3A_27 : vector<1x5xf32> to vector<512x5xf32>
    %mul3A_241 = arith.mulf %mul3A_239, %mul3A_240 : vector<512x5xf32>
    %add3A_242 = arith.addf %mul3A_237, %mul3A_241 : vector<512x5xf32>
    %swap3A_243 = arith.constant 14 : index
    %swap3A_244 = arith.constant 0 : index
    %swap3A_245 = arith.constant 0 : index
    %swap3A_246 = vector.load %arg6[%swap3A_243, %swap3A_244, %swap3A_245] : memref<32x512x5xf32, #tpu.memory_space<vmem>>, vector<1x512x5xf32>
    %swap3A_247 = vector.shape_cast %swap3A_246 : vector<1x512x5xf32> to vector<512x5xf32>
    %swap3A_248 = vector.shape_cast %add3A_242 : vector<512x5xf32> to vector<1x512x5xf32>
    tpu.vector_store %arg6[%swap3A_243, %swap3A_244, %swap3A_245], %swap3A_248 {strides = array<i32>} : memref<32x512x5xf32, #tpu.memory_space<vmem>>, vector<1x512x5xf32>,
    %slice3A_249 = vector.extract_strided_slice %dot_general3A_19 {offsets = [0, 15], sizes = [512, 1], strides = [1, 1]} : vector<512x32xf32> to vector<512x1xf32>
    %mul3A_250 = vector.broadcast %slice3A_249 : vector<512x1xf32> to vector<512x5xf32>
    %mul3A_251 = vector.broadcast %get3A_24 : vector<1x5xf32> to vector<512x5xf32>
    %mul3A_252 = arith.mulf %mul3A_250, %mul3A_251 : vector<512x5xf32>
    %slice3A_253 = vector.extract_strided_slice %dot_general3A_21 {offsets = [0, 15], sizes = [512, 1], strides = [1, 1]} : vector<512x32xf32> to vector<512x1xf32>
    %mul3A_254 = vector.broadcast %slice3A_253 : vector<512x1xf32> to vector<512x5xf32>
    %mul3A_255 = vector.broadcast %get3A_27 : vector<1x5xf32> to vector<512x5xf32>
    %mul3A_256 = arith.mulf %mul3A_254, %mul3A_255 : vector<512x5xf32>
    %add3A_257 = arith.addf %mul3A_252, %mul3A_256 : vector<512x5xf32>
    %swap3A_258 = arith.constant 15 : index
    %swap3A_259 = arith.constant 0 : index
    %swap3A_260 = arith.constant 0 : index
    %swap3A_261 = vector.load %arg6[%swap3A_258, %swap3A_259, %swap3A_260] : memref<32x512x5xf32, #tpu.memory_space<vmem>>, vector<1x512x5xf32>
    %swap3A_262 = vector.shape_cast %swap3A_261 : vector<1x512x5xf32> to vector<512x5xf32>
    %swap3A_263 = vector.shape_cast %add3A_257 : vector<512x5xf32> to vector<1x512x5xf32>
    tpu.vector_store %arg6[%swap3A_258, %swap3A_259, %swap3A_260], %swap3A_263 {strides = array<i32>} : memref<32x512x5xf32, #tpu.memory_space<vmem>>, vector<1x512x5xf32>,
    %slice3A_264 = vector.extract_strided_slice %dot_general3A_19 {offsets = [0, 16], sizes = [512, 1], strides = [1, 1]} : vector<512x32xf32> to vector<512x1xf32>
    %mul3A_265 = vector.broadcast %slice3A_264 : vector<512x1xf32> to vector<512x5xf32>
    %mul3A_266 = vector.broadcast %get3A_24 : vector<1x5xf32> to vector<512x5xf32>
    %mul3A_267 = arith.mulf %mul3A_265, %mul3A_266 : vector<512x5xf32>
    %slice3A_268 = vector.extract_strided_slice %dot_general3A_21 {offsets = [0, 16], sizes = [512, 1], strides = [1, 1]} : vector<512x32xf32> to vector<512x1xf32>
    %mul3A_269 = vector.broadcast %slice3A_268 : vector<512x1xf32> to vector<512x5xf32>
    %mul3A_270 = vector.broadcast %get3A_27 : vector<1x5xf32> to vector<512x5xf32>
    %mul3A_271 = arith.mulf %mul3A_269, %mul3A_270 : vector<512x5xf32>
    %add3A_272 = arith.addf %mul3A_267, %mul3A_271 : vector<512x5xf32>
    %swap3A_273 = arith.constant 16 : index
    %swap3A_274 = arith.constant 0 : index
    %swap3A_275 = arith.constant 0 : index
    %swap3A_276 = vector.load %arg6[%swap3A_273, %swap3A_274, %swap3A_275] : memref<32x512x5xf32, #tpu.memory_space<vmem>>, vector<1x512x5xf32>
    %swap3A_277 = vector.shape_cast %swap3A_276 : vector<1x512x5xf32> to vector<512x5xf32>
    %swap3A_278 = vector.shape_cast %add3A_272 : vector<512x5xf32> to vector<1x512x5xf32>
    tpu.vector_store %arg6[%swap3A_273, %swap3A_274, %swap3A_275], %swap3A_278 {strides = array<i32>} : memref<32x512x5xf32, #tpu.memory_space<vmem>>, vector<1x512x5xf32>,
    %slice3A_279 = vector.extract_strided_slice %dot_general3A_19 {offsets = [0, 17], sizes = [512, 1], strides = [1, 1]} : vector<512x32xf32> to vector<512x1xf32>
    %mul3A_280 = vector.broadcast %slice3A_279 : vector<512x1xf32> to vector<512x5xf32>
    %mul3A_281 = vector.broadcast %get3A_24 : vector<1x5xf32> to vector<512x5xf32>
    %mul3A_282 = arith.mulf %mul3A_280, %mul3A_281 : vector<512x5xf32>
    %slice3A_283 = vector.extract_strided_slice %dot_general3A_21 {offsets = [0, 17], sizes = [512, 1], strides = [1, 1]} : vector<512x32xf32> to vector<512x1xf32>
    %mul3A_284 = vector.broadcast %slice3A_283 : vector<512x1xf32> to vector<512x5xf32>
    %mul3A_285 = vector.broadcast %get3A_27 : vector<1x5xf32> to vector<512x5xf32>
    %mul3A_286 = arith.mulf %mul3A_284, %mul3A_285 : vector<512x5xf32>
    %add3A_287 = arith.addf %mul3A_282, %mul3A_286 : vector<512x5xf32>
    %swap3A_288 = arith.constant 17 : index
    %swap3A_289 = arith.constant 0 : index
    %swap3A_290 = arith.constant 0 : index
    %swap3A_291 = vector.load %arg6[%swap3A_288, %swap3A_289, %swap3A_290] : memref<32x512x5xf32, #tpu.memory_space<vmem>>, vector<1x512x5xf32>
    %swap3A_292 = vector.shape_cast %swap3A_291 : vector<1x512x5xf32> to vector<512x5xf32>
    %swap3A_293 = vector.shape_cast %add3A_287 : vector<512x5xf32> to vector<1x512x5xf32>
    tpu.vector_store %arg6[%swap3A_288, %swap3A_289, %swap3A_290], %swap3A_293 {strides = array<i32>} : memref<32x512x5xf32, #tpu.memory_space<vmem>>, vector<1x512x5xf32>,
    %slice3A_294 = vector.extract_strided_slice %dot_general3A_19 {offsets = [0, 18], sizes = [512, 1], strides = [1, 1]} : vector<512x32xf32> to vector<512x1xf32>
    %mul3A_295 = vector.broadcast %slice3A_294 : vector<512x1xf32> to vector<512x5xf32>
    %mul3A_296 = vector.broadcast %get3A_24 : vector<1x5xf32> to vector<512x5xf32>
    %mul3A_297 = arith.mulf %mul3A_295, %mul3A_296 : vector<512x5xf32>
    %slice3A_298 = vector.extract_strided_slice %dot_general3A_21 {offsets = [0, 18], sizes = [512, 1], strides = [1, 1]} : vector<512x32xf32> to vector<512x1xf32>
    %mul3A_299 = vector.broadcast %slice3A_298 : vector<512x1xf32> to vector<512x5xf32>
    %mul3A_300 = vector.broadcast %get3A_27 : vector<1x5xf32> to vector<512x5xf32>
    %mul3A_301 = arith.mulf %mul3A_299, %mul3A_300 : vector<512x5xf32>
    %add3A_302 = arith.addf %mul3A_297, %mul3A_301 : vector<512x5xf32>
    %swap3A_303 = arith.constant 18 : index
    %swap3A_304 = arith.constant 0 : index
    %swap3A_305 = arith.constant 0 : index
    %swap3A_306 = vector.load %arg6[%swap3A_303, %swap3A_304, %swap3A_305] : memref<32x512x5xf32, #tpu.memory_space<vmem>>, vector<1x512x5xf32>
    %swap3A_307 = vector.shape_cast %swap3A_306 : vector<1x512x5xf32> to vector<512x5xf32>
    %swap3A_308 = vector.shape_cast %add3A_302 : vector<512x5xf32> to vector<1x512x5xf32>
    tpu.vector_store %arg6[%swap3A_303, %swap3A_304, %swap3A_305], %swap3A_308 {strides = array<i32>} : memref<32x512x5xf32, #tpu.memory_space<vmem>>, vector<1x512x5xf32>,
    %slice3A_309 = vector.extract_strided_slice %dot_general3A_19 {offsets = [0, 19], sizes = [512, 1], strides = [1, 1]} : vector<512x32xf32> to vector<512x1xf32>
    %mul3A_310 = vector.broadcast %slice3A_309 : vector<512x1xf32> to vector<512x5xf32>
    %mul3A_311 = vector.broadcast %get3A_24 : vector<1x5xf32> to vector<512x5xf32>
    %mul3A_312 = arith.mulf %mul3A_310, %mul3A_311 : vector<512x5xf32>
    %slice3A_313 = vector.extract_strided_slice %dot_general3A_21 {offsets = [0, 19], sizes = [512, 1], strides = [1, 1]} : vector<512x32xf32> to vector<512x1xf32>
    %mul3A_314 = vector.broadcast %slice3A_313 : vector<512x1xf32> to vector<512x5xf32>
    %mul3A_315 = vector.broadcast %get3A_27 : vector<1x5xf32> to vector<512x5xf32>
    %mul3A_316 = arith.mulf %mul3A_314, %mul3A_315 : vector<512x5xf32>
    %add3A_317 = arith.addf %mul3A_312, %mul3A_316 : vector<512x5xf32>
    %swap3A_318 = arith.constant 19 : index
    %swap3A_319 = arith.constant 0 : index
    %swap3A_320 = arith.constant 0 : index
    %swap3A_321 = vector.load %arg6[%swap3A_318, %swap3A_319, %swap3A_320] : memref<32x512x5xf32, #tpu.memory_space<vmem>>, vector<1x512x5xf32>
    %swap3A_322 = vector.shape_cast %swap3A_321 : vector<1x512x5xf32> to vector<512x5xf32>
    %swap3A_323 = vector.shape_cast %add3A_317 : vector<512x5xf32> to vector<1x512x5xf32>
    tpu.vector_store %arg6[%swap3A_318, %swap3A_319, %swap3A_320], %swap3A_323 {strides = array<i32>} : memref<32x512x5xf32, #tpu.memory_space<vmem>>, vector<1x512x5xf32>,
    %slice3A_324 = vector.extract_strided_slice %dot_general3A_19 {offsets = [0, 20], sizes = [512, 1], strides = [1, 1]} : vector<512x32xf32> to vector<512x1xf32>
    %mul3A_325 = vector.broadcast %slice3A_324 : vector<512x1xf32> to vector<512x5xf32>
    %mul3A_326 = vector.broadcast %get3A_24 : vector<1x5xf32> to vector<512x5xf32>
    %mul3A_327 = arith.mulf %mul3A_325, %mul3A_326 : vector<512x5xf32>
    %slice3A_328 = vector.extract_strided_slice %dot_general3A_21 {offsets = [0, 20], sizes = [512, 1], strides = [1, 1]} : vector<512x32xf32> to vector<512x1xf32>
    %mul3A_329 = vector.broadcast %slice3A_328 : vector<512x1xf32> to vector<512x5xf32>
    %mul3A_330 = vector.broadcast %get3A_27 : vector<1x5xf32> to vector<512x5xf32>
    %mul3A_331 = arith.mulf %mul3A_329, %mul3A_330 : vector<512x5xf32>
    %add3A_332 = arith.addf %mul3A_327, %mul3A_331 : vector<512x5xf32>
    %swap3A_333 = arith.constant 20 : index
    %swap3A_334 = arith.constant 0 : index
    %swap3A_335 = arith.constant 0 : index
    %swap3A_336 = vector.load %arg6[%swap3A_333, %swap3A_334, %swap3A_335] : memref<32x512x5xf32, #tpu.memory_space<vmem>>, vector<1x512x5xf32>
    %swap3A_337 = vector.shape_cast %swap3A_336 : vector<1x512x5xf32> to vector<512x5xf32>
    %swap3A_338 = vector.shape_cast %add3A_332 : vector<512x5xf32> to vector<1x512x5xf32>
    tpu.vector_store %arg6[%swap3A_333, %swap3A_334, %swap3A_335], %swap3A_338 {strides = array<i32>} : memref<32x512x5xf32, #tpu.memory_space<vmem>>, vector<1x512x5xf32>,
    %slice3A_339 = vector.extract_strided_slice %dot_general3A_19 {offsets = [0, 21], sizes = [512, 1], strides = [1, 1]} : vector<512x32xf32> to vector<512x1xf32>
    %mul3A_340 = vector.broadcast %slice3A_339 : vector<512x1xf32> to vector<512x5xf32>
    %mul3A_341 = vector.broadcast %get3A_24 : vector<1x5xf32> to vector<512x5xf32>
    %mul3A_342 = arith.mulf %mul3A_340, %mul3A_341 : vector<512x5xf32>
    %slice3A_343 = vector.extract_strided_slice %dot_general3A_21 {offsets = [0, 21], sizes = [512, 1], strides = [1, 1]} : vector<512x32xf32> to vector<512x1xf32>
    %mul3A_344 = vector.broadcast %slice3A_343 : vector<512x1xf32> to vector<512x5xf32>
    %mul3A_345 = vector.broadcast %get3A_27 : vector<1x5xf32> to vector<512x5xf32>
    %mul3A_346 = arith.mulf %mul3A_344, %mul3A_345 : vector<512x5xf32>
    %add3A_347 = arith.addf %mul3A_342, %mul3A_346 : vector<512x5xf32>
    %swap3A_348 = arith.constant 21 : index
    %swap3A_349 = arith.constant 0 : index
    %swap3A_350 = arith.constant 0 : index
    %swap3A_351 = vector.load %arg6[%swap3A_348, %swap3A_349, %swap3A_350] : memref<32x512x5xf32, #tpu.memory_space<vmem>>, vector<1x512x5xf32>
    %swap3A_352 = vector.shape_cast %swap3A_351 : vector<1x512x5xf32> to vector<512x5xf32>
    %swap3A_353 = vector.shape_cast %add3A_347 : vector<512x5xf32> to vector<1x512x5xf32>
    tpu.vector_store %arg6[%swap3A_348, %swap3A_349, %swap3A_350], %swap3A_353 {strides = array<i32>} : memref<32x512x5xf32, #tpu.memory_space<vmem>>, vector<1x512x5xf32>,
    %slice3A_354 = vector.extract_strided_slice %dot_general3A_19 {offsets = [0, 22], sizes = [512, 1], strides = [1, 1]} : vector<512x32xf32> to vector<512x1xf32>
    %mul3A_355 = vector.broadcast %slice3A_354 : vector<512x1xf32> to vector<512x5xf32>
    %mul3A_356 = vector.broadcast %get3A_24 : vector<1x5xf32> to vector<512x5xf32>
    %mul3A_357 = arith.mulf %mul3A_355, %mul3A_356 : vector<512x5xf32>
    %slice3A_358 = vector.extract_strided_slice %dot_general3A_21 {offsets = [0, 22], sizes = [512, 1], strides = [1, 1]} : vector<512x32xf32> to vector<512x1xf32>
    %mul3A_359 = vector.broadcast %slice3A_358 : vector<512x1xf32> to vector<512x5xf32>
    %mul3A_360 = vector.broadcast %get3A_27 : vector<1x5xf32> to vector<512x5xf32>
    %mul3A_361 = arith.mulf %mul3A_359, %mul3A_360 : vector<512x5xf32>
    %add3A_362 = arith.addf %mul3A_357, %mul3A_361 : vector<512x5xf32>
    %swap3A_363 = arith.constant 22 : index
    %swap3A_364 = arith.constant 0 : index
    %swap3A_365 = arith.constant 0 : index
    %swap3A_366 = vector.load %arg6[%swap3A_363, %swap3A_364, %swap3A_365] : memref<32x512x5xf32, #tpu.memory_space<vmem>>, vector<1x512x5xf32>
    %swap3A_367 = vector.shape_cast %swap3A_366 : vector<1x512x5xf32> to vector<512x5xf32>
    %swap3A_368 = vector.shape_cast %add3A_362 : vector<512x5xf32> to vector<1x512x5xf32>
    tpu.vector_store %arg6[%swap3A_363, %swap3A_364, %swap3A_365], %swap3A_368 {strides = array<i32>} : memref<32x512x5xf32, #tpu.memory_space<vmem>>, vector<1x512x5xf32>,
    %slice3A_369 = vector.extract_strided_slice %dot_general3A_19 {offsets = [0, 23], sizes = [512, 1], strides = [1, 1]} : vector<512x32xf32> to vector<512x1xf32>
    %mul3A_370 = vector.broadcast %slice3A_369 : vector<512x1xf32> to vector<512x5xf32>
    %mul3A_371 = vector.broadcast %get3A_24 : vector<1x5xf32> to vector<512x5xf32>
    %mul3A_372 = arith.mulf %mul3A_370, %mul3A_371 : vector<512x5xf32>
    %slice3A_373 = vector.extract_strided_slice %dot_general3A_21 {offsets = [0, 23], sizes = [512, 1], strides = [1, 1]} : vector<512x32xf32> to vector<512x1xf32>
    %mul3A_374 = vector.broadcast %slice3A_373 : vector<512x1xf32> to vector<512x5xf32>
    %mul3A_375 = vector.broadcast %get3A_27 : vector<1x5xf32> to vector<512x5xf32>
    %mul3A_376 = arith.mulf %mul3A_374, %mul3A_375 : vector<512x5xf32>
    %add3A_377 = arith.addf %mul3A_372, %mul3A_376 : vector<512x5xf32>
    %swap3A_378 = arith.constant 23 : index
    %swap3A_379 = arith.constant 0 : index
    %swap3A_380 = arith.constant 0 : index
    %swap3A_381 = vector.load %arg6[%swap3A_378, %swap3A_379, %swap3A_380] : memref<32x512x5xf32, #tpu.memory_space<vmem>>, vector<1x512x5xf32>
    %swap3A_382 = vector.shape_cast %swap3A_381 : vector<1x512x5xf32> to vector<512x5xf32>
    %swap3A_383 = vector.shape_cast %add3A_377 : vector<512x5xf32> to vector<1x512x5xf32>
    tpu.vector_store %arg6[%swap3A_378, %swap3A_379, %swap3A_380], %swap3A_383 {strides = array<i32>} : memref<32x512x5xf32, #tpu.memory_space<vmem>>, vector<1x512x5xf32>,
    %slice3A_384 = vector.extract_strided_slice %dot_general3A_19 {offsets = [0, 24], sizes = [512, 1], strides = [1, 1]} : vector<512x32xf32> to vector<512x1xf32>
    %mul3A_385 = vector.broadcast %slice3A_384 : vector<512x1xf32> to vector<512x5xf32>
    %mul3A_386 = vector.broadcast %get3A_24 : vector<1x5xf32> to vector<512x5xf32>
    %mul3A_387 = arith.mulf %mul3A_385, %mul3A_386 : vector<512x5xf32>
    %slice3A_388 = vector.extract_strided_slice %dot_general3A_21 {offsets = [0, 24], sizes = [512, 1], strides = [1, 1]} : vector<512x32xf32> to vector<512x1xf32>
    %mul3A_389 = vector.broadcast %slice3A_388 : vector<512x1xf32> to vector<512x5xf32>
    %mul3A_390 = vector.broadcast %get3A_27 : vector<1x5xf32> to vector<512x5xf32>
    %mul3A_391 = arith.mulf %mul3A_389, %mul3A_390 : vector<512x5xf32>
    %add3A_392 = arith.addf %mul3A_387, %mul3A_391 : vector<512x5xf32>
    %swap3A_393 = arith.constant 24 : index
    %swap3A_394 = arith.constant 0 : index
    %swap3A_395 = arith.constant 0 : index
    %swap3A_396 = vector.load %arg6[%swap3A_393, %swap3A_394, %swap3A_395] : memref<32x512x5xf32, #tpu.memory_space<vmem>>, vector<1x512x5xf32>
    %swap3A_397 = vector.shape_cast %swap3A_396 : vector<1x512x5xf32> to vector<512x5xf32>
    %swap3A_398 = vector.shape_cast %add3A_392 : vector<512x5xf32> to vector<1x512x5xf32>
    tpu.vector_store %arg6[%swap3A_393, %swap3A_394, %swap3A_395], %swap3A_398 {strides = array<i32>} : memref<32x512x5xf32, #tpu.memory_space<vmem>>, vector<1x512x5xf32>,
    %slice3A_399 = vector.extract_strided_slice %dot_general3A_19 {offsets = [0, 25], sizes = [512, 1], strides = [1, 1]} : vector<512x32xf32> to vector<512x1xf32>
    %mul3A_400 = vector.broadcast %slice3A_399 : vector<512x1xf32> to vector<512x5xf32>
    %mul3A_401 = vector.broadcast %get3A_24 : vector<1x5xf32> to vector<512x5xf32>
    %mul3A_402 = arith.mulf %mul3A_400, %mul3A_401 : vector<512x5xf32>
    %slice3A_403 = vector.extract_strided_slice %dot_general3A_21 {offsets = [0, 25], sizes = [512, 1], strides = [1, 1]} : vector<512x32xf32> to vector<512x1xf32>
    %mul3A_404 = vector.broadcast %slice3A_403 : vector<512x1xf32> to vector<512x5xf32>
    %mul3A_405 = vector.broadcast %get3A_27 : vector<1x5xf32> to vector<512x5xf32>
    %mul3A_406 = arith.mulf %mul3A_404, %mul3A_405 : vector<512x5xf32>
    %add3A_407 = arith.addf %mul3A_402, %mul3A_406 : vector<512x5xf32>
    %swap3A_408 = arith.constant 25 : index
    %swap3A_409 = arith.constant 0 : index
    %swap3A_410 = arith.constant 0 : index
    %swap3A_411 = vector.load %arg6[%swap3A_408, %swap3A_409, %swap3A_410] : memref<32x512x5xf32, #tpu.memory_space<vmem>>, vector<1x512x5xf32>
    %swap3A_412 = vector.shape_cast %swap3A_411 : vector<1x512x5xf32> to vector<512x5xf32>
    %swap3A_413 = vector.shape_cast %add3A_407 : vector<512x5xf32> to vector<1x512x5xf32>
    tpu.vector_store %arg6[%swap3A_408, %swap3A_409, %swap3A_410], %swap3A_413 {strides = array<i32>} : memref<32x512x5xf32, #tpu.memory_space<vmem>>, vector<1x512x5xf32>,
    %slice3A_414 = vector.extract_strided_slice %dot_general3A_19 {offsets = [0, 26], sizes = [512, 1], strides = [1, 1]} : vector<512x32xf32> to vector<512x1xf32>
    %mul3A_415 = vector.broadcast %slice3A_414 : vector<512x1xf32> to vector<512x5xf32>
    %mul3A_416 = vector.broadcast %get3A_24 : vector<1x5xf32> to vector<512x5xf32>
    %mul3A_417 = arith.mulf %mul3A_415, %mul3A_416 : vector<512x5xf32>
    %slice3A_418 = vector.extract_strided_slice %dot_general3A_21 {offsets = [0, 26], sizes = [512, 1], strides = [1, 1]} : vector<512x32xf32> to vector<512x1xf32>
    %mul3A_419 = vector.broadcast %slice3A_418 : vector<512x1xf32> to vector<512x5xf32>
    %mul3A_420 = vector.broadcast %get3A_27 : vector<1x5xf32> to vector<512x5xf32>
    %mul3A_421 = arith.mulf %mul3A_419, %mul3A_420 : vector<512x5xf32>
    %add3A_422 = arith.addf %mul3A_417, %mul3A_421 : vector<512x5xf32>
    %swap3A_423 = arith.constant 26 : index
    %swap3A_424 = arith.constant 0 : index
    %swap3A_425 = arith.constant 0 : index
    %swap3A_426 = vector.load %arg6[%swap3A_423, %swap3A_424, %swap3A_425] : memref<32x512x5xf32, #tpu.memory_space<vmem>>, vector<1x512x5xf32>
    %swap3A_427 = vector.shape_cast %swap3A_426 : vector<1x512x5xf32> to vector<512x5xf32>
    %swap3A_428 = vector.shape_cast %add3A_422 : vector<512x5xf32> to vector<1x512x5xf32>
    tpu.vector_store %arg6[%swap3A_423, %swap3A_424, %swap3A_425], %swap3A_428 {strides = array<i32>} : memref<32x512x5xf32, #tpu.memory_space<vmem>>, vector<1x512x5xf32>,
    %slice3A_429 = vector.extract_strided_slice %dot_general3A_19 {offsets = [0, 27], sizes = [512, 1], strides = [1, 1]} : vector<512x32xf32> to vector<512x1xf32>
    %mul3A_430 = vector.broadcast %slice3A_429 : vector<512x1xf32> to vector<512x5xf32>
    %mul3A_431 = vector.broadcast %get3A_24 : vector<1x5xf32> to vector<512x5xf32>
    %mul3A_432 = arith.mulf %mul3A_430, %mul3A_431 : vector<512x5xf32>
    %slice3A_433 = vector.extract_strided_slice %dot_general3A_21 {offsets = [0, 27], sizes = [512, 1], strides = [1, 1]} : vector<512x32xf32> to vector<512x1xf32>
    %mul3A_434 = vector.broadcast %slice3A_433 : vector<512x1xf32> to vector<512x5xf32>
    %mul3A_435 = vector.broadcast %get3A_27 : vector<1x5xf32> to vector<512x5xf32>
    %mul3A_436 = arith.mulf %mul3A_434, %mul3A_435 : vector<512x5xf32>
    %add3A_437 = arith.addf %mul3A_432, %mul3A_436 : vector<512x5xf32>
    %swap3A_438 = arith.constant 27 : index
    %swap3A_439 = arith.constant 0 : index
    %swap3A_440 = arith.constant 0 : index
    %swap3A_441 = vector.load %arg6[%swap3A_438, %swap3A_439, %swap3A_440] : memref<32x512x5xf32, #tpu.memory_space<vmem>>, vector<1x512x5xf32>
    %swap3A_442 = vector.shape_cast %swap3A_441 : vector<1x512x5xf32> to vector<512x5xf32>
    %swap3A_443 = vector.shape_cast %add3A_437 : vector<512x5xf32> to vector<1x512x5xf32>
    tpu.vector_store %arg6[%swap3A_438, %swap3A_439, %swap3A_440], %swap3A_443 {strides = array<i32>} : memref<32x512x5xf32, #tpu.memory_space<vmem>>, vector<1x512x5xf32>,
    %slice3A_444 = vector.extract_strided_slice %dot_general3A_19 {offsets = [0, 28], sizes = [512, 1], strides = [1, 1]} : vector<512x32xf32> to vector<512x1xf32>
    %mul3A_445 = vector.broadcast %slice3A_444 : vector<512x1xf32> to vector<512x5xf32>
    %mul3A_446 = vector.broadcast %get3A_24 : vector<1x5xf32> to vector<512x5xf32>
    %mul3A_447 = arith.mulf %mul3A_445, %mul3A_446 : vector<512x5xf32>
    %slice3A_448 = vector.extract_strided_slice %dot_general3A_21 {offsets = [0, 28], sizes = [512, 1], strides = [1, 1]} : vector<512x32xf32> to vector<512x1xf32>
    %mul3A_449 = vector.broadcast %slice3A_448 : vector<512x1xf32> to vector<512x5xf32>
    %mul3A_450 = vector.broadcast %get3A_27 : vector<1x5xf32> to vector<512x5xf32>
    %mul3A_451 = arith.mulf %mul3A_449, %mul3A_450 : vector<512x5xf32>
    %add3A_452 = arith.addf %mul3A_447, %mul3A_451 : vector<512x5xf32>
    %swap3A_453 = arith.constant 28 : index
    %swap3A_454 = arith.constant 0 : index
    %swap3A_455 = arith.constant 0 : index
    %swap3A_456 = vector.load %arg6[%swap3A_453, %swap3A_454, %swap3A_455] : memref<32x512x5xf32, #tpu.memory_space<vmem>>, vector<1x512x5xf32>
    %swap3A_457 = vector.shape_cast %swap3A_456 : vector<1x512x5xf32> to vector<512x5xf32>
    %swap3A_458 = vector.shape_cast %add3A_452 : vector<512x5xf32> to vector<1x512x5xf32>
    tpu.vector_store %arg6[%swap3A_453, %swap3A_454, %swap3A_455], %swap3A_458 {strides = array<i32>} : memref<32x512x5xf32, #tpu.memory_space<vmem>>, vector<1x512x5xf32>,
    %slice3A_459 = vector.extract_strided_slice %dot_general3A_19 {offsets = [0, 29], sizes = [512, 1], strides = [1, 1]} : vector<512x32xf32> to vector<512x1xf32>
    %mul3A_460 = vector.broadcast %slice3A_459 : vector<512x1xf32> to vector<512x5xf32>
    %mul3A_461 = vector.broadcast %get3A_24 : vector<1x5xf32> to vector<512x5xf32>
    %mul3A_462 = arith.mulf %mul3A_460, %mul3A_461 : vector<512x5xf32>
    %slice3A_463 = vector.extract_strided_slice %dot_general3A_21 {offsets = [0, 29], sizes = [512, 1], strides = [1, 1]} : vector<512x32xf32> to vector<512x1xf32>
    %mul3A_464 = vector.broadcast %slice3A_463 : vector<512x1xf32> to vector<512x5xf32>
    %mul3A_465 = vector.broadcast %get3A_27 : vector<1x5xf32> to vector<512x5xf32>
    %mul3A_466 = arith.mulf %mul3A_464, %mul3A_465 : vector<512x5xf32>
    %add3A_467 = arith.addf %mul3A_462, %mul3A_466 : vector<512x5xf32>
    %swap3A_468 = arith.constant 29 : index
    %swap3A_469 = arith.constant 0 : index
    %swap3A_470 = arith.constant 0 : index
    %swap3A_471 = vector.load %arg6[%swap3A_468, %swap3A_469, %swap3A_470] : memref<32x512x5xf32, #tpu.memory_space<vmem>>, vector<1x512x5xf32>
    %swap3A_472 = vector.shape_cast %swap3A_471 : vector<1x512x5xf32> to vector<512x5xf32>
    %swap3A_473 = vector.shape_cast %add3A_467 : vector<512x5xf32> to vector<1x512x5xf32>
    tpu.vector_store %arg6[%swap3A_468, %swap3A_469, %swap3A_470], %swap3A_473 {strides = array<i32>} : memref<32x512x5xf32, #tpu.memory_space<vmem>>, vector<1x512x5xf32>,
    %slice3A_474 = vector.extract_strided_slice %dot_general3A_19 {offsets = [0, 30], sizes = [512, 1], strides = [1, 1]} : vector<512x32xf32> to vector<512x1xf32>
    %mul3A_475 = vector.broadcast %slice3A_474 : vector<512x1xf32> to vector<512x5xf32>
    %mul3A_476 = vector.broadcast %get3A_24 : vector<1x5xf32> to vector<512x5xf32>
    %mul3A_477 = arith.mulf %mul3A_475, %mul3A_476 : vector<512x5xf32>
    %slice3A_478 = vector.extract_strided_slice %dot_general3A_21 {offsets = [0, 30], sizes = [512, 1], strides = [1, 1]} : vector<512x32xf32> to vector<512x1xf32>
    %mul3A_479 = vector.broadcast %slice3A_478 : vector<512x1xf32> to vector<512x5xf32>
    %mul3A_480 = vector.broadcast %get3A_27 : vector<1x5xf32> to vector<512x5xf32>
    %mul3A_481 = arith.mulf %mul3A_479, %mul3A_480 : vector<512x5xf32>
    %add3A_482 = arith.addf %mul3A_477, %mul3A_481 : vector<512x5xf32>
    %swap3A_483 = arith.constant 30 : index
    %swap3A_484 = arith.constant 0 : index
    %swap3A_485 = arith.constant 0 : index
    %swap3A_486 = vector.load %arg6[%swap3A_483, %swap3A_484, %swap3A_485] : memref<32x512x5xf32, #tpu.memory_space<vmem>>, vector<1x512x5xf32>
    %swap3A_487 = vector.shape_cast %swap3A_486 : vector<1x512x5xf32> to vector<512x5xf32>
    %swap3A_488 = vector.shape_cast %add3A_482 : vector<512x5xf32> to vector<1x512x5xf32>
    tpu.vector_store %arg6[%swap3A_483, %swap3A_484, %swap3A_485], %swap3A_488 {strides = array<i32>} : memref<32x512x5xf32, #tpu.memory_space<vmem>>, vector<1x512x5xf32>,
    %slice3A_489 = vector.extract_strided_slice %dot_general3A_19 {offsets = [0, 31], sizes = [512, 1], strides = [1, 1]} : vector<512x32xf32> to vector<512x1xf32>
    %mul3A_490 = vector.broadcast %slice3A_489 : vector<512x1xf32> to vector<512x5xf32>
    %mul3A_491 = vector.broadcast %get3A_24 : vector<1x5xf32> to vector<512x5xf32>
    %mul3A_492 = arith.mulf %mul3A_490, %mul3A_491 : vector<512x5xf32>
    %slice3A_493 = vector.extract_strided_slice %dot_general3A_21 {offsets = [0, 31], sizes = [512, 1], strides = [1, 1]} : vector<512x32xf32> to vector<512x1xf32>
    %mul3A_494 = vector.broadcast %slice3A_493 : vector<512x1xf32> to vector<512x5xf32>
    %mul3A_495 = vector.broadcast %get3A_27 : vector<1x5xf32> to vector<512x5xf32>
    %mul3A_496 = arith.mulf %mul3A_494, %mul3A_495 : vector<512x5xf32>
    %add3A_497 = arith.addf %mul3A_492, %mul3A_496 : vector<512x5xf32>
    %swap3A_498 = arith.constant 31 : index
    %swap3A_499 = arith.constant 0 : index
    %swap3A_500 = arith.constant 0 : index
    %swap3A_501 = vector.load %arg6[%swap3A_498, %swap3A_499, %swap3A_500] : memref<32x512x5xf32, #tpu.memory_space<vmem>>, vector<1x512x5xf32>
    %swap3A_502 = vector.shape_cast %swap3A_501 : vector<1x512x5xf32> to vector<512x5xf32>
    %swap3A_503 = vector.shape_cast %add3A_497 : vector<512x5xf32> to vector<1x512x5xf32>
    tpu.vector_store %arg6[%swap3A_498, %swap3A_499, %swap3A_500], %swap3A_503 {strides = array<i32>} : memref<32x512x5xf32, #tpu.memory_space<vmem>>, vector<1x512x5xf32>,
    return
  }
  func.func @transform_0(%arg0: i32, %arg1: i32) -> (i32, i32) {
    %c0_i32 = arith.constant 0 : i32
    %c0_i32_0 = arith.constant 0 : i32
    return %arg0, %c0_i32 : i32, i32
  }
  func.func @transform_1(%arg0: i32, %arg1: i32) -> (i32, i32) {
    %c0_i32 = arith.constant 0 : i32
    %c0_i32_0 = arith.constant 0 : i32
    return %arg1, %c0_i32 : i32, i32
  }
  func.func @transform_2(%arg0: i32, %arg1: i32) -> (i32, i32, i32) {
    %c0_i32 = arith.constant 0 : i32
    %c0_i32_0 = arith.constant 0 : i32
    %c0_i32_1 = arith.constant 0 : i32
    %c0_i32_2 = arith.constant 0 : i32
    return %c0_i32, %c0_i32_0, %c0_i32_1 : i32, i32, i32
  }
  func.func @transform_3(%arg0: i32, %arg1: i32) -> (i32, i32) {
    %c0_i32 = arith.constant 0 : i32
    %c0_i32_0 = arith.constant 0 : i32
    %c0_i32_1 = arith.constant 0 : i32
    return %c0_i32, %c0_i32_0 : i32, i32
  }
  func.func @transform_4(%arg0: i32, %arg1: i32) -> (i32, i32, i32) {
    %c0_i32 = arith.constant 0 : i32
    %c0_i32_0 = arith.constant 0 : i32
    return %arg0, %arg1, %c0_i32 : i32, i32, i32
  }
}

</mosaic_0001>

<sc_bundles>
// kernel: sparse-core-data-format-call.cloned.1.call-start
scs
called_computation_lowered:
.L_overlay_start_0:
0x0: {  	s2 =	sld [smem:$0x3FD9]  }
0x1: {  	s3 =	sld [smem:$0x3FFE];
	_ =	sdelay $0x1  }
0x2: {  	s1 =	srdreg.scid  }
0x3: {  	s0 =	sand.u32 $0x1, s1  }
0x4: {  	s18 =	sshll.u32 s0, $0xA;
	s2 =	sadd.s32 s3, s2  }
0x5: {  	s2 =	sadd.s32 s2, s18  }
0x6: {  	[smem:$0x3FC4] =	sst s2  }
0x7: {  	_ = 	snop  }
0x8: {  	s2 =	sld [smem:$0x3FD0];
	(tm) =	ssettm $0x1  }
0x9: {  	s19 =	sld [smem:$0x3FFB];
	_ =	sdelay $0x3  }
0xa: {  	_ =	strace s19  }
0xb: {  	s3 =	sld [smem:$0x3FFC];
	_ =	sdelay $0x3  }
0xc: {  	_ =	strace s3  }
0xd: {  	s3 =	sld [smem:$0x3FFD];
	_ =	sdelay $0x3  }
0xe: {  	_ =	strace s3  }
0xf: {  	_ =	strace $0x8FFFFFFF  }
0x10: {  	s20 =	sld [smem:$0x3FDB];
	_ =	sdelay $0x1  }
0x11: {  	s4 =	simm.s32 $_scs_section_size  }
0x12: {  	s5 =	simm.s32 $_size__tile_overlayer_lowered;
	s6 =	simm.s32 $_tile_overlayer_lowered  }
0x13: {  	s23 =	simm.s32 $0x1BFF;
	s22 =	sshll.u32 s6, $0x1;
	s3 =	sadd.s32 s4, s20  }
0x14: {  	s7 =	simm.s32 $0x0;
	s21 =	sshll.u32 s5, $0x1;
	s5 =	sadd.s32 s22, s3  }
0x15: {  	[timem:s7], [sflag:s23] =	dma.local [hbm:s5], s21  }
0x16: {  	_ =	swait.ge [sflag:s23], s21  }
0x17: {  	s4 =	ssub.s32 $0x0, s21;
	[sflag:s23] =	ssyncset.done $0x0  }
0x18: {  	[sflag:s23] =	ssyncadd.s32 s4;
	_ =	sdelay $0x1  }
0x19: {  	s24 =	simm.s32 $0x1B8B  }
0x1a: {  	_ =	swait.ge [sflag:s24], $0x1  }
0x1b: {  	[sflag:s24] =	ssyncset.done $0x0  }
0x1c: {  	s26 =	simm.s32 $0x1B8E;
	s25 =	sld [smem:$0x3FFE];
	[sflag:s24] =	ssyncadd.s32 $0xFFFFFFFF  }
0x1d: {  	s27 =	simm.s32 $execute0_lowered;
	[smem:$0x3FD2] =	sst s26  }
0x1e: {  	s5 =	sshll.u32 s27, $0x1;
	_ =	strace $0x80000046;
	[dreg:$0x1] =	wrdreg $0xFFFFFFFF  }
0x1f: {  	s28 =	simm.s32 $_size_execute0_lowered;
	s3 =	sadd.s32 s3, s5;
	[dreg:$0x0] =	wrdreg $0x0  }
0x20: {  	s5 =	sshll.u32 s28, $0x1;
	[dreg:$0x2] =	wrdreg s3  }
0x21: {  	[dreg:$0x3] =	wrdreg s5  }
0x22: {  	[dreg:$0x4] =	wrdreg $0xC0  }
0x23: {  	_ =	task [dreg:s7], $0x5FFFF  }
0x24: {  	[dreg:$0x1] =	wrdreg $0xFFFFFFFF  }
0x25: {  	[dreg:$0x0] =	wrdreg $0x60  }
0x26: {  	[dreg:$0x2] =	wrdreg s25  }
0x27: {  	[dreg:$0x3] =	wrdreg s2  }
0x28: {  	[dreg:$0x4] =	wrdreg $0x9  }
0x29: {  	_ =	task.clear_ibuf [dreg:s7], $0x5FFFF;
	_ =	strace $0x90000046  }
0x2a: {  	s29 =	simm.s32 $0x9;
	_ =	strace $0x80000048  }
0x2b: {  	_ =	swait.ge [sflag:s29], $0x1  }
0x2c: {  	[sflag:s29] =	ssyncadd.s32 $0xFFFFFFFF  }
0x2d: {  	_ =	strace $0x90000048  }
0x2e: {  	_ =	sfence  }
0x2f: {  	s30 =	sld [smem:$0x0];
	_ =	sdelay $0x2  }
0x30: {  	s31 =	sshll.u32 s1, $0xD;
	s1 =	sshrl.u32 s1, $0x2  }
0x31: {  	s3 =	sand.u32 $0x4000, s31;
	s1 =	sadd.s32 s1, s30  }
0x32: {  	s0 =	sor.u32 s3, s0;
	s1 =	sshll.u32 s1, $0x11  }
0x33: {  	s0 =	sor.u32 s1, s0  }
0x34: {  	s0 =	sadd.s32 $0x8F2B, s0  }
0x35: {  	[sflag:s0] =	ssyncadd.remote.s32 $0x1  }
0x36: {  	_ =	sfence.sel $0xFFFF  }
0x37: {  	[dreg:$0x0] =	wrdreg $0xFFFFFFFF;
	(pc) =	sbr.abs _section_cstart, $3  }
0x38: {  	[dreg:$0x1] =	wrdreg $0xFFFFFFFF  }
0x39: {  	_ =	task.clear_ibuf [dreg:s7], $0x2FFFF;
	_ =	strace $0x9FFFFFFF  }
0x3a: {  	(tm) =	ssettm $0x7FFFFFFF  }
0x3b: {  	_ =	shalt  }
tec
execute0_lowered:
.L_overlay_start_1:
0x0: {  	(tag) =	ssettag $0x1  }
0x1: {  	s0 =	srdreg.scid  }
0x2: {  	s1 =	sshll.u32 s0, $0x4  }
0x3: {  	s6 =	rddreg [dreg:$0x0];
	s0 =	stileid.u32;
	s1 =	sand.u32 $0x10, s1  }
0x4: {  	s3 =	rddreg [dreg:$0x1];
	s1 =	sor.u32 s0, s1  }
0x5: {  	s7 =	simm.s32 $0x1;
	s8 =	simm.s32 $0x2;
	s2 =	sshll.u32 s1, $0x7  }
0x6: {  	s10 =	simm.s32 $0x0;
	s9 =	simm.s32 $0x0;
	s5 =	ssub.s32 $0x400000, s2  }
.Ltmp0:
0x7: {  	s6 =	sadd.s32 $0x600, s6;
	s4 =	sand.u32 $0xF80, s5;
	(pc) =	sbr.rel .LBB1_1-.Ltmp0, $4  }
0x8: {  	s1 =	rddreg [dreg:$0x2];
	_ =	strace $0x80000047;
	p0 =	sne.s32 s4, $0x0  }
0x9: {  	s5 =	sshrl.u32 s5, $0xC;
	s4 =	simm.s32 $0x1;
	s7 =	simm.s32 @!p0 $0x0  }
0xa: {  	[sflag:s4] =	ssyncpa.u1 $0x0;
	p0 =	por $0x0, $0x0;
	s5 =	sadd.s32 s7, s5  }
0xb: {  	[sflag:s8] =	ssyncpa.u1 $0x0;
	s8 =	smov.u32 s2;
	s7 =	sadd.s32 $0x1, s5  }
.LBB1_4:
0xc: {  	[tilespmem:s20+$0xFFFFFFFA ss:$0x81] =	vst.msk $0xff, v4  }
0xd: {  	v4 =	vld.msk [tilespmem:s21+$0xFFFFFFF0], $0xff;
	_ =	sdelay $0x3  }
0xe: {  	[tilespmem:s18+$0xFFFFFFFB ss:$0x81] =	vst.msk $0xff, v3  }
0xf: {  	v3 =	vld.msk [tilespmem:s19+$0xFFFFFFF8], $0xff;
	[tilespmem:s20+$0xFFFFFFFB ss:$0x81] =	vst.msk $0xff, v4  }
0x10: {  	v4 =	vld.msk [tilespmem:s21+$0xFFFFFFF8], $0xff;
	_ =	sdelay $0x3  }
0x11: {  	v5 =	vld.msk [tilespmem:s17+$0x0], $0xff;
	[tilespmem:s18+$0xFFFFFFFC ss:$0x81] =	vst.msk $0xff, v3  }
0x12: {  	v3 =	vld.msk [tilespmem:s19+$0x0], $0xff;
	[tilespmem:s20+$0xFFFFFFFC ss:$0x81] =	vst.msk $0xff, v4  }
0x13: {  	v4 =	vld.msk [tilespmem:s21+$0x0], $0xff;
	_ =	sdelay $0x2  }
0x14: {  	[tilespmem:s16+$0xFFFFFFFD ss:$0x81] =	vst.msk $0xff, v5  }
0x15: {  	v5 =	vld.msk [tilespmem:s17+$0x8], $0xff;
	[tilespmem:s18+$0xFFFFFFFD ss:$0x81] =	vst.msk $0xff, v3  }
0x16: {  	v3 =	vld.msk [tilespmem:s19+$0x8], $0xff;
	[tilespmem:s20+$0xFFFFFFFD ss:$0x81] =	vst.msk $0xff, v4  }
0x17: {  	v4 =	vld.msk [tilespmem:s21+$0x8], $0xff;
	_ =	sdelay $0x1  }
0x18: {  	[tilespmem:s14+$0xFFFFFFFE ss:$0x81] =	vst.msk $0xff, v2  }
0x19: {  	v2 =	vld.msk [tilespmem:s15+$0x10], $0xff;
	[tilespmem:s16+$0xFFFFFFFE ss:$0x81] =	vst.msk $0xff, v5  }
0x1a: {  	v5 =	vld.msk [tilespmem:s17+$0x10], $0xff;
	[tilespmem:s18+$0xFFFFFFFE ss:$0x81] =	vst.msk $0xff, v3  }
0x1b: {  	v3 =	vld.msk [tilespmem:s19+$0x10], $0xff;
	[tilespmem:s20+$0xFFFFFFFE ss:$0x81] =	vst.msk $0xff, v4  }
0x1c: {  	v4 =	vld.msk [tilespmem:s21+$0x10], $0xff  }
0x1d: {  	[tilespmem:s12+$0xFFFFFFFF ss:$0x81] =	vst.msk $0xff, v1  }
0x1e: {  	v1 =	vld.msk [tilespmem:s13+$0x18], $0xff;
	[tilespmem:s14+$0xFFFFFFFF ss:$0x81] =	vst.msk $0xff, v2  }
0x1f: {  	v2 =	vld.msk [tilespmem:s15+$0x18], $0xff;
	[tilespmem:s16+$0xFFFFFFFF ss:$0x81] =	vst.msk $0xff, v5  }
0x20: {  	v61 =	vld.msk [tilespmem:s17+$0x18], $0xff;
	[tilespmem:s18+$0xFFFFFFFF ss:$0x81] =	vst.msk $0xff, v3  }
0x21: {  	v62 =	vld.msk [tilespmem:s19+$0x18], $0xff;
	[tilespmem:s20+$0xFFFFFFFF ss:$0x81] =	vst.msk $0xff, v4  }
0x22: {  	[tilespmem:s11+$0x0 ss:$0x81] =	vst.msk $0xff, v0;
	v63 =	vld.msk [tilespmem:s21+$0x18], $0xff  }
0x23: {  	s28 =	sshll.u32 s10, $0x3;
	[tilespmem:s12+$0x0 ss:$0x81] =	vst.msk $0xff, v1  }
0x24: {  	s29 =	sand.u32 $0x78, s10;
	s11 =	sand.u32 $0x3FFC00, s28;
	[tilespmem:s14+$0x0 ss:$0x81] =	vst.msk $0xff, v2  }
0x25: {  	s30 =	sand.u32 $0x380000, s10;
	s11 =	sor.u32 s29, s11;
	[tilespmem:s16+$0x0 ss:$0x81] =	vst.msk $0xff, v61  }
0x26: {  	s11 =	sshrl.u32 s11, $0x3;
	s12 =	sadd.s32 s3, s30;
	[tilespmem:s18+$0x0 ss:$0x81] =	vst.msk $0xff, v62  }
0x27: {  	s31 =	sand.u32 $0x7, s10;
	s11 =	sadd.s32 s11, s12;
	[tilespmem:s20+$0x0 ss:$0x81] =	vst.msk $0xff, v63  }
0x28: {  	[hbm4b:s11+s31] =	stream.linear.scatter [tilespmem:s22], [sflag:$0x2], $0x400, $0x20;
	[tilespmem:$0x1010] =	vst v63  }
.LBB1_5:
0x29: {  	s12 =	sadd.s32 $0x1000, s8  }
0x2a: {  	p2 =	sgt.s32 s12, $0x3FFFFF  }
0x2b: {  	s12 =	smov.u32 @p2 s2;
	p2 =	sne.s32 s9, s7  }
.Ltmp1:
0x2c: {  	p1 =	slt.u32 s9, $0x2;
	(pc) =	sbr.rel @!p2 .LBB1_6-.Ltmp1, $4  }
0x2d: {  	s11 =	simm.s32 @!p1 $0x2  }
0x2e: {  	s13 =	sadd.s32 $0x1, s9;
	_ =	swait.ge @!p1 [sflag:s11], $0x400  }
0x2f: {  	s10 =	smov.u32 s8;
	p0 =	por !p0, !p0;
	[sflag:s11] =	ssyncset.done @!p1 $0x0  }
0x30: {  	s9 =	smov.u32 s13;
	s8 =	smov.u32 s12;
	[sflag:s11] =	ssyncadd.s32 @!p1 $0xFFFFFC00  }
.LBB1_1:
0x31: {  	p1 =	sge.u32 s9, s5  }
0x32: {  	s31 =	sadd.s32 $0xFFFFFFFF, s9;
	s11 =	sxor.u32 @!p1 $0xFFFFFFFF, s9;
	s12 =	sshll.u32 @!p1 s8, $0x4  }
0x33: {  	s13 =	simm.s32 @!p1 $0x8;
	s11 =	sshll.u32 @!p1 s11, $0xA;
	s12 =	sand.u32 @!p1 $0x3FFFFF0, s12  }
0x34: {  	s14 =	simm.s32 @!p1 $0x80;
	s11 =	sand.u32 @!p1 $0x400, s11;
	s12 =	sadd.s32 @!p1 s6, s12  }
0x35: {  	[tilespmem:s11], [sflag:$0x1] =	stream.strided.gather @!p1 [hbm4b:s12+s13], $0x400, s14, s13, $0x38;
	[tilespmem:$0x1010] =	vst v63  }
0x36: {  	p1 =	sge.u32 s31, s5  }
.Ltmp2:
0x37: {  	_ = 	snop;
	(pc) =	sbr.rel @p1 .LBB1_5-.Ltmp2, $1  }
0x38: {  	_ =	sdelay $0x3  }
0x39: {  	s11 =	simm.s32 $0x1  }
0x3a: {  	_ =	swait.ge [sflag:s4], $0x400;
	s11 =	simm.s32 @!p0 $0x0  }
0x3b: {  	[sflag:s4] =	ssyncset.done $0x0;
	s12 =	sshll.u32 s11, $0xA  }
0x3c: {  	[sflag:s4] =	ssyncadd.s32 $0xFFFFFC00;
	s20 =	sor.u32 $0x20, s12  }
0x3d: {  	v0 =	vld.msk [tilespmem:s20+$0xFFFFFFE0], $0xff  }
0x3e: {  	s11 =	smul.u32 $0x1020, s11;
	_ =	sdelay $0x1  }
0x3f: {  	s11 =	sshrl.u32 s11, $0x2  }
0x40: {  	s11 =	sor.u32 $0x807, s11  }
0x41: {  	[tilespmem:s11+$0xFFFFFFF9 ss:$0x81] =	vst.msk $0xff, v0  }
0x42: {  	v0 =	vld.msk [tilespmem:s20+$0xFFFFFFE8], $0xff  }
0x43: {  	s13 =	sadd.s32 $0x40, s20  }
0x44: {  	v1 =	vld.msk [tilespmem:s13+$0xFFFFFFE0], $0xff;
	_ =	sdelay $0x2  }
0x45: {  	[tilespmem:s11+$0xFFFFFFFA ss:$0x81] =	vst.msk $0xff, v0  }
0x46: {  	s12 =	sadd.s32 $0x8, s11;
	v0 =	vld.msk [tilespmem:s20+$0xFFFFFFF0], $0xff  }
0x47: {  	[tilespmem:s12+$0xFFFFFFF9 ss:$0x81] =	vst.msk $0xff, v1  }
0x48: {  	v1 =	vld.msk [tilespmem:s13+$0xFFFFFFE8], $0xff  }
0x49: {  	s15 =	sadd.s32 $0x40, s13  }
0x4a: {  	v2 =	vld.msk [tilespmem:s15+$0xFFFFFFE0], $0xff  }
0x4b: {  	[tilespmem:s11+$0xFFFFFFFB ss:$0x81] =	vst.msk $0xff, v0  }
0x4c: {  	v0 =	vld.msk [tilespmem:s20+$0xFFFFFFF8], $0xff  }
0x4d: {  	[tilespmem:s12+$0xFFFFFFFA ss:$0x81] =	vst.msk $0xff, v1  }
0x4e: {  	s14 =	sadd.s32 $0x8, s12;
	v1 =	vld.msk [tilespmem:s13+$0xFFFFFFF0], $0xff  }
0x4f: {  	[tilespmem:s14+$0xFFFFFFF9 ss:$0x81] =	vst.msk $0xff, v2  }
0x50: {  	s17 =	sadd.s32 $0x40, s15;
	v2 =	vld.msk [tilespmem:s15+$0xFFFFFFE8], $0xff  }
0x51: {  	[tilespmem:s11+$0xFFFFFFFC ss:$0x81] =	vst.msk $0xff, v0;
	v0 =	vld.msk [tilespmem:s17+$0xFFFFFFE0], $0xff  }
0x52: {  	v3 =	vld.msk [tilespmem:s20+$0x0], $0xff  }
0x53: {  	[tilespmem:s12+$0xFFFFFFFB ss:$0x81] =	vst.msk $0xff, v1  }
0x54: {  	v1 =	vld.msk [tilespmem:s13+$0xFFFFFFF8], $0xff  }
0x55: {  	s16 =	sadd.s32 $0x8, s14;
	[tilespmem:s14+$0xFFFFFFFA ss:$0x81] =	vst.msk $0xff, v2  }
0x56: {  	v2 =	vld.msk [tilespmem:s15+$0xFFFFFFF0], $0xff;
	[tilespmem:s16+$0xFFFFFFF9 ss:$0x81] =	vst.msk $0xff, v0  }
0x57: {  	v0 =	vld.msk [tilespmem:s17+$0xFFFFFFE8], $0xff;
	[tilespmem:s11+$0xFFFFFFFD ss:$0x81] =	vst.msk $0xff, v3  }
0x58: {  	s19 =	sadd.s32 $0x40, s17;
	v3 =	vld.msk [tilespmem:s20+$0x8], $0xff  }
0x59: {  	[tilespmem:s12+$0xFFFFFFFC ss:$0x81] =	vst.msk $0xff, v1;
	v1 =	vld.msk [tilespmem:s19+$0xFFFFFFE0], $0xff  }
0x5a: {  	v4 =	vld.msk [tilespmem:s13+$0x0], $0xff  }
0x5b: {  	[tilespmem:s14+$0xFFFFFFFB ss:$0x81] =	vst.msk $0xff, v2  }
0x5c: {  	v2 =	vld.msk [tilespmem:s15+$0xFFFFFFF8], $0xff;
	[tilespmem:s16+$0xFFFFFFFA ss:$0x81] =	vst.msk $0xff, v0  }
0x5d: {  	s18 =	sadd.s32 $0x8, s16;
	v0 =	vld.msk [tilespmem:s17+$0xFFFFFFF0], $0xff;
	[tilespmem:s11+$0xFFFFFFFE ss:$0x81] =	vst.msk $0xff, v3  }
0x5e: {  	[tilespmem:s18+$0xFFFFFFF9 ss:$0x81] =	vst.msk $0xff, v1;
	v1 =	vld.msk [tilespmem:s20+$0x10], $0xff  }
0x5f: {  	[tilespmem:s12+$0xFFFFFFFD ss:$0x81] =	vst.msk $0xff, v4;
	v3 =	vld.msk [tilespmem:s19+$0xFFFFFFE8], $0xff  }
0x60: {  	s21 =	sadd.s32 $0x40, s19;
	v4 =	vld.msk [tilespmem:s13+$0x8], $0xff  }
0x61: {  	[tilespmem:s14+$0xFFFFFFFC ss:$0x81] =	vst.msk $0xff, v2;
	v2 =	vld.msk [tilespmem:s21+$0xFFFFFFE0], $0xff  }
0x62: {  	v5 =	vld.msk [tilespmem:s15+$0x0], $0xff;
	[tilespmem:s16+$0xFFFFFFFB ss:$0x81] =	vst.msk $0xff, v0  }
0x63: {  	v6 =	vld.msk [tilespmem:s17+$0xFFFFFFF8], $0xff;
	[tilespmem:s11+$0xFFFFFFFF ss:$0x81] =	vst.msk $0xff, v1  }
0x64: {  	s22 =	sand.u32 $0x1, s9;
	[tilespmem:s18+$0xFFFFFFFA ss:$0x81] =	vst.msk $0xff, v3;
	v0 =	vld.msk [tilespmem:s20+$0x18], $0xff  }
0x65: {  	s22 =	smul.u32 $0x1020, s22;
	[tilespmem:s12+$0xFFFFFFFE ss:$0x81] =	vst.msk $0xff, v4;
	v3 =	vld.msk [tilespmem:s19+$0xFFFFFFF0], $0xff;
	s20 =	sadd.s32 $0x8, s18  }
0x66: {  	v1 =	vld.msk [tilespmem:s13+$0x10], $0xff;
	[tilespmem:s20+$0xFFFFFFF9 ss:$0x81] =	vst.msk $0xff, v2  }
0x67: {  	s22 =	sshrl.u32 s22, $0x2;
	[tilespmem:s14+$0xFFFFFFFD ss:$0x81] =	vst.msk $0xff, v5;
	v4 =	vld.msk [tilespmem:s21+$0xFFFFFFE8], $0xff  }
0x68: {  	s23 =	simm.s32 $0x28;
	s22 =	sor.u32 $0x800, s22;
	s24 =	sadd.s32 $0x40, s21;
	v2 =	vld.msk [tilespmem:s15+$0x8], $0xff;
	[tilespmem:s16+$0xFFFFFFFC ss:$0x81] =	vst.msk $0xff, v6  }
.LBB1_3:
0x69: {  	v5 =	vld.msk [tilespmem:s24+$0xFFFFFFE0], $0xff;
	[tilespmem:s11+$0x0 ss:$0x81] =	vst.msk $0xff, v0;
	s11 =	smov.u32 s12;
	s12 =	smov.u32 s14;
	s14 =	smov.u32 s16  }
0x6a: {  	s23 =	sadd.s32 $0x8, s23;
	s16 =	smov.u32 s18;
	[tilespmem:s18+$0xFFFFFFFB ss:$0x81] =	vst.msk $0xff, v3;
	v6 =	vld.msk [tilespmem:s17+$0x0], $0xff;
	s18 =	smov.u32 s20  }
0x6b: {  	p1 =	slt.u32 s23, $0x78;
	v7 =	vld.msk [tilespmem:s19+$0xFFFFFFF8], $0xff;
	[tilespmem:s11+$0xFFFFFFFF ss:$0x81] =	vst.msk $0xff, v1  }
.Ltmp3:
0x6c: {  	[tilespmem:s20+$0xFFFFFFFA ss:$0x81] =	vst.msk $0xff, v4;
	v0 =	vld.msk [tilespmem:s13+$0x18], $0xff;
	s13 =	smov.u32 s15;
	s15 =	smov.u32 s17;
	(pc) =	sbr.rel @p1 .LBB1_3-.Ltmp3, $4  }
0x6d: {  	s20 =	sadd.s32 $0x8, s20;
	s17 =	smov.u32 s19;
	s19 =	smov.u32 s21;
	v3 =	vld.msk [tilespmem:s21+$0xFFFFFFF0], $0xff;
	[tilespmem:s12+$0xFFFFFFFE ss:$0x81] =	vst.msk $0xff, v2  }
0x6e: {  	s21 =	smov.u32 s24;
	[tilespmem:s20+$0xFFFFFFF9 ss:$0x81] =	vst.msk $0xff, v5;
	v1 =	vld.msk [tilespmem:s13+$0x10], $0xff  }
0x6f: {  	v4 =	vld.msk [tilespmem:s24+$0xFFFFFFE8], $0xff;
	[tilespmem:s14+$0xFFFFFFFD ss:$0x81] =	vst.msk $0xff, v6  }
0x70: {  	s24 =	sadd.s32 $0x40, s24;
	[tilespmem:s16+$0xFFFFFFFC ss:$0x81] =	vst.msk $0xff, v7;
	v2 =	vld.msk [tilespmem:s15+$0x8], $0xff  }
.Ltmp4:
0x71: {  	_ = 	snop;
	(pc) =	sbr.rel .LBB1_4-.Ltmp4, $1  }
0x72: {  	_ =	sdelay $0x3  }
.LBB1_6:
0x73: {  	_ =	sfence.sel $0x180000  }
0x74: {  	s2 =	simm.s32 $0x1;
	[bflag:$0x0] =	sbarrier.arrive $0xFFFF  }
0x75: {  	s31 =	simm.s32 $0x2;
	[sflag:s2] =	ssyncpa.u1 $0x1  }
0x76: {  	[sflag:s31] =	ssyncpa.u1 $0x1  }
0x77: {  	p0 =	sne.s32 s0, $0x0;
	_ =	strace $0x90000047  }
0x78: {  	s0 =	sadd.s32 @!p0 $0x100000, s1;
	[bflag:$0x2] =	sbarrier.arrive $0xFFFF  }
0x79: {  	[sflag:s0] =	ssyncadd.tile.s32 @!p0 $0x1;
	_ =	shalt  }
.Lfunc_end1:
_tile_overlayer_lowered:
.L_overlay_start_2:
0x7a: {  	(tag) =	ssettag $0x2  }
0x7b: {  	s0 =	rddreg [dreg:$0x0];
	s2 =	stileid.u32  }
0x7c: {  	s1 =	rddreg [dreg:$0x1];
	p0 =	sne.s32 s2, $0x0  }
0x7d: {  	s3 =	rddreg [dreg:$0x2];
	[bflag:$0x3] =	sbarrier.arrive $0xFFFF;
	s2 =	simm.s32 @!p0 $0x1C01  }
0x7e: {  	[timem:s3], [sflag:s2] =	dma.local @!p0 [hbm:s0], s1  }
0x7f: {  	s0 =	simm.s32 @!p0 $0x1  }
0x80: {  	_ =	swait.ge @!p0 [sflag:s0], s1  }
0x81: {  	s1 =	ssub.s32 @!p0 $0x0, s1;
	[sflag:s0] =	ssyncset.done @!p0 $0x0  }
0x82: {  	[sflag:s0] =	ssyncadd.s32 @!p0 s1  }
0x83: {  	[bflag:$0x3] =	sbarrier.arrive $0xFFFF  }
0x84: {  	_ =	shalt  }

</sc_bundles>
